<compile_context>
chip_gen: v7x
topology: tpu7x:2x2x1
jax: 0.10.2.dev20260603
libtpu: 0.0.44.dev20260713+nightly
codegen_flags: <defaults>
</compile_context>

<pallas_src>
import functools

import jax
import jax.numpy as jnp
from jax import lax
from jax.experimental import pallas as pl
from jax.experimental.pallas import tpu as pltpu
from jax.experimental.pallas import tpu_sc as plsc

NC = 2
NS = 16
NW = NC * NS
CHUNK = 128
NDUMP = 240
NBUF = 4


def _tc1_body(x_ref, wi_ref, bi_ref, wc_ref, deg0_ref, deg1_ref, g_ref):
    a = jnp.dot(x_ref[...], wi_ref[...], preferred_element_type=jnp.float32)
    a = jnp.maximum(a + bi_ref[...], 0.0)
    h = jnp.dot(a, wc_ref[...], preferred_element_type=jnp.float32)
    deg = deg0_ref[...] + deg1_ref[...] + 1.0
    g_ref[...] = h * lax.rsqrt(deg)


def _tc3_body(tmp_ref, g_ref, deg0_ref, deg1_ref, wh_ref, bh_ref, wo_ref, bo_ref, y_ref):
    deg = deg0_ref[...] + deg1_ref[...] + 1.0
    dinv = lax.rsqrt(deg)
    s = (tmp_ref[0] + tmp_ref[1] + g_ref[...]) * dinv
    z = jnp.dot(s, wh_ref[...], preferred_element_type=jnp.float32)
    z = jnp.maximum(z + bh_ref[...], 0.0)
    y_ref[...] = jnp.dot(z, wo_ref[...], preferred_element_type=jnp.float32) + bo_ref[...]


def _make_deg_kernel(n_chunks, n_pad, rows_pt):
    mesh = plsc.VectorSubcoreMesh(core_axis_name="c", subcore_axis_name="s")

    @functools.partial(
        pl.kernel,
        mesh=mesh,
        out_type=jax.ShapeDtypeStruct((NC * n_pad,), jnp.float32),
        scratch_types=[
            pltpu.VMEM((n_chunks, CHUNK), jnp.int32),
            pltpu.VMEM((CHUNK,), jnp.float32),
            pltpu.VMEM_SHARED((n_pad,), jnp.float32),
            pltpu.SemaphoreType.DMA,
        ],
        compiler_params=pltpu.CompilerParams(use_tc_tiling_on_sc=False),
    )
    def deg_kernel(row_hbm, ones_hbm, z1_hbm, deg_out, idx_v, ones_v, acc, sem):
        cid = lax.axis_index("c")
        sid = lax.axis_index("s")
        wid = cid * NS + sid
        pltpu.sync_copy(row_hbm.at[wid], idx_v)
        pltpu.sync_copy(ones_hbm, ones_v)
        pltpu.sync_copy(z1_hbm, acc.at[pl.ds(sid * rows_pt, rows_pt)])
        plsc.subcore_barrier()

        def body(j, carry):
            pltpu.async_copy(ones_v, acc.at[idx_v.at[j]], sem, add=True)
            return carry

        lax.fori_loop(0, n_chunks, body, 0)

        def drain(j, carry):
            pltpu.make_async_copy(ones_v, acc.at[idx_v.at[j]], sem).wait()
            return carry

        lax.fori_loop(0, n_chunks, drain, 0)
        plsc.subcore_barrier()
        pltpu.sync_copy(acc.at[pl.ds(sid * rows_pt, rows_pt)],
                        deg_out.at[pl.ds(cid * n_pad + sid * rows_pt, rows_pt)])

    return deg_kernel


def _make_scatter_kernel(n_chunks, n_pad, rows_pt, h_dim):
    mesh = plsc.VectorSubcoreMesh(core_axis_name="c", subcore_axis_name="s")

    @functools.partial(
        pl.kernel,
        mesh=mesh,
        out_type=jax.ShapeDtypeStruct((NC, n_pad, h_dim), jnp.float32),
        scratch_types=[
            pltpu.VMEM((n_chunks, CHUNK), jnp.int32),
            pltpu.VMEM((n_chunks, CHUNK), jnp.int32),
            pltpu.VMEM((NBUF, CHUNK, h_dim), jnp.float32),
            pltpu.VMEM_SHARED((n_pad, h_dim), jnp.float32),
        ] + [pltpu.SemaphoreType.DMA] * NBUF,
        compiler_params=pltpu.CompilerParams(use_tc_tiling_on_sc=False),
    )
    def scatter_kernel(row_hbm, col_hbm, g_hbm, z2_hbm, tmp_out,
                       row_v, col_v, vbufs, acc, *sems):
        cid = lax.axis_index("c")
        sid = lax.axis_index("s")
        wid = cid * NS + sid
        pltpu.sync_copy(row_hbm.at[wid], row_v)
        pltpu.sync_copy(col_hbm.at[wid], col_v)
        pltpu.sync_copy(z2_hbm, acc.at[pl.ds(sid * rows_pt, rows_pt)])
        plsc.subcore_barrier()

        gsems = sems[:NBUF]
        for b in range(NBUF):
            pltpu.async_copy(g_hbm.at[row_v.at[b]], vbufs.at[b], gsems[b])

        n_groups = n_chunks // NBUF

        def group(gi, carry):
            for b in range(NBUF):
                j = gi * NBUF + b
                pltpu.make_async_copy(
                    g_hbm.at[row_v.at[j]], vbufs.at[b], gsems[b]).wait()
                pltpu.sync_copy(vbufs.at[b], acc.at[col_v.at[j]], add=True)

                @pl.when(gi < n_groups - 1)
                def _():
                    pltpu.async_copy(
                        g_hbm.at[row_v.at[j + NBUF]], vbufs.at[b], gsems[b])
            return carry

        lax.fori_loop(0, n_groups, group, 0)
        plsc.subcore_barrier()
        pltpu.sync_copy(acc.at[pl.ds(sid * rows_pt, rows_pt)],
                        tmp_out.at[cid, pl.ds(sid * rows_pt, rows_pt)])

    return scatter_kernel


def kernel(x, edge_index, W_i, b_i, W_conv, W_h, b_h, W_o, b_o):
    N, D = x.shape
    H = W_i.shape[1]
    O = W_o.shape[1]
    E = edge_index.shape[1]

    BM = 2000
    assert N % BM == 0
    grid_n = N // BM

    assert E % NW == 0
    epw = E // NW
    n_chunks = -(-epw // CHUNK)
    n_chunks = -(-n_chunks // NBUF) * NBUF
    pad_pt = n_chunks * CHUNK - epw
    n_dump = max(pad_pt, 1)
    rows_pt = -(-(N + n_dump) // (NS * 8)) * 8
    n_pad = rows_pt * NS

    dump2 = jnp.broadcast_to(
        (jnp.arange(pad_pt, dtype=jnp.int32) % n_dump) + N, (NW, pad_pt))
    gat2 = jnp.broadcast_to(
        jnp.arange(pad_pt, dtype=jnp.int32) % N, (NW, pad_pt))
    row2 = edge_index[0].astype(jnp.int32).reshape(NW, epw)
    col2 = edge_index[1].astype(jnp.int32).reshape(NW, epw)
    rowd3 = jnp.concatenate([row2, dump2], 1).reshape(NW, n_chunks, CHUNK)
    row3 = jnp.concatenate([row2, gat2], 1).reshape(NW, n_chunks, CHUNK)
    col3 = jnp.concatenate([col2, dump2], 1).reshape(NW, n_chunks, CHUNK)

    ones_c = jnp.ones((CHUNK,), jnp.float32)
    z1_c = jnp.zeros((rows_pt,), jnp.float32)
    z2_c = jnp.zeros((rows_pt, H), jnp.float32)

    degp = _make_deg_kernel(n_chunks, n_pad, rows_pt)(rowd3, ones_c, z1_c)
    deg0 = degp[:N].reshape(N, 1)
    deg1 = degp[n_pad:n_pad + N].reshape(N, 1)

    g = pl.pallas_call(
        _tc1_body,
        grid=(grid_n,),
        in_specs=[
            pl.BlockSpec((BM, D), lambda i: (i, 0)),
            pl.BlockSpec((D, H), lambda i: (0, 0)),
            pl.BlockSpec((1, H), lambda i: (0, 0)),
            pl.BlockSpec((H, H), lambda i: (0, 0)),
            pl.BlockSpec((BM, 1), lambda i: (i, 0)),
            pl.BlockSpec((BM, 1), lambda i: (i, 0)),
        ],
        out_specs=pl.BlockSpec((BM, H), lambda i: (i, 0)),
        out_shape=jax.ShapeDtypeStruct((N, H), jnp.float32),
    )(x, W_i, b_i.reshape(1, H), W_conv, deg0, deg1)

    tmpp = _make_scatter_kernel(n_chunks, n_pad, rows_pt, H)(row3, col3, g, z2_c)

    y = pl.pallas_call(
        _tc3_body,
        grid=(grid_n,),
        in_specs=[
            pl.BlockSpec((NC, BM, H), lambda i: (0, i, 0)),
            pl.BlockSpec((BM, H), lambda i: (i, 0)),
            pl.BlockSpec((BM, 1), lambda i: (i, 0)),
            pl.BlockSpec((BM, 1), lambda i: (i, 0)),
            pl.BlockSpec((H, H), lambda i: (0, 0)),
            pl.BlockSpec((1, H), lambda i: (0, 0)),
            pl.BlockSpec((H, O), lambda i: (0, 0)),
            pl.BlockSpec((1, O), lambda i: (0, 0)),
        ],
        out_specs=pl.BlockSpec((BM, O), lambda i: (i, 0)),
        out_shape=jax.ShapeDtypeStruct((N, O), jnp.float32),
    )(tmpp, g, deg0, deg1, W_h, b_h.reshape(1, H), W_o, b_o.reshape(1, O))
    return y

# --- scband reference (transcript-rebuilt; emitter-appended) ---
"""Pipeline reference for scband-neural-fingerprint-61040075211144 (READ-ONLY COPY).

The authoritative reference and input builder live on the scoring server;
editing this copy changes nothing except your own understanding.
"""

import jax, jax.numpy as jnp
import numpy as np


def setup_inputs(seed: int = 0) -> dict:
    key = jax.random.key(seed)
    ks = jax.random.split(key, 10)
    N, E, D, H, O = 10000, 320000, 128, 64, 1
    x = jax.random.normal(ks[0], (N, D), dtype=jnp.float32)
    edge_index = jax.random.randint(ks[1], (2, E), 0, N, dtype=jnp.int32)
    # learned parameters (linear layers stored as [in, out] so forward is x @ W + b)
    W_i = jax.random.normal(ks[2], (D, H), dtype=jnp.float32) * (1.0 / np.sqrt(D))
    b_i = jnp.zeros((H,), dtype=jnp.float32)
    W_conv = jax.random.normal(ks[3], (H, H), dtype=jnp.float32) * (1.0 / np.sqrt(H))
    W_h = jax.random.normal(ks[4], (H, H), dtype=jnp.float32) * (1.0 / np.sqrt(H))
    b_h = jnp.zeros((H,), dtype=jnp.float32)
    W_o = jax.random.normal(ks[5], (H, O), dtype=jnp.float32) * (1.0 / np.sqrt(H))
    b_o = jnp.zeros((O,), dtype=jnp.float32)
    return {"x": x, "edge_index": edge_index, "W_i": W_i, "b_i": b_i,
            "W_conv": W_conv, "W_h": W_h, "b_h": b_h, "W_o": W_o, "b_o": b_o}


def reference(x, edge_index, W_i, b_i, W_conv, W_h, b_h, W_o, b_o):
    N = x.shape[0]
    # x = relu(W_i(x))
    h = jax.nn.relu(x @ W_i + b_i)
    # GraphConvolution.forward: add self loops, x = x @ weight, propagate(aggr='add')
    h = h @ W_conv
    loops = jnp.arange(N, dtype=edge_index.dtype)
    ei = jnp.concatenate([edge_index, jnp.stack([loops, loops])], axis=1)
    row, col = ei[0], ei[1]
    # degree of source nodes (row), symmetric GCN-style normalization per edge
    deg = jax.ops.segment_sum(jnp.ones(ei.shape[1], dtype=h.dtype), row, num_segments=N)
    dinv = jnp.where(deg > 0, deg ** -0.5, 0.0)
    norm = dinv[row] * dinv[col]
    # message: norm * x_j where x_j = x[source]; aggregate (add) at target nodes
    msg = norm[:, None] * h[row]
    out = jax.ops.segment_sum(msg, col, num_segments=N)
    # x = relu(W_h(x)); x = W_o(x)
    out = jax.nn.relu(out @ W_h + b_h)
    return out @ W_o + b_o

if __name__ == "__main__":
    import jax
    _d = setup_inputs()
    print(jax.jit(kernel)(*tuple(_d.values())))

</pallas_src>

<mosaic_0001>
#map = affine_map<(d0, d1) -> (0, 0, 0)>
#map1 = affine_map<(d0, d1) -> (0)>
module attributes {stable_mosaic.version = 14 : i64} {
  func.func @deg_kernel(%arg0: i32, %arg1: i32, %arg2: memref<32x80x128xi32, #tpu.memory_space<hbm>>, %arg3: memref<128xf32, #tpu.memory_space<hbm>>, %arg4: memref<640xf32, #tpu.memory_space<hbm>>, %arg5: memref<20480xf32, #tpu.memory_space<hbm>>, %arg6: memref<80x128xi32, #tpu.memory_space<vmem>>, %arg7: memref<128xf32, #tpu.memory_space<vmem>>, %arg8: memref<10240xf32, #tpu.memory_space<vmem_shared>>, %arg9: memref<!tpu.dma_semaphore, #tpu.memory_space<semaphore_mem>>) attributes {dimension_semantics = [#tpu.dimension_semantics<core_parallel>, #tpu.dimension_semantics<subcore_parallel>], iteration_bounds = array<i64: 2, 16>, scalar_prefetch = 0 : i64, scratch_operands = 4 : i64, tpu.core_type = #tpu.core_type<sc_vector_subcore>, window_params = [{transform_indices = #map}, {transform_indices = #map1}, {transform_indices = #map1}, {transform_indices = #map1}]} {
    %mul3A = arith.constant 16 : i32
    %mul3A_0 = arith.muli %arg0, %mul3A : i32
    %add3A = arith.addi %mul3A_0, %arg1 : i32
    "tpu.region"() ({
      %run_scoped3A = tpu.sem_alloc : memref<!tpu.dma_semaphore, #tpu.memory_space<semaphore_mem>>
      %dma_start3A = arith.constant 0 : i32
      %dma_start3A_22 = arith.constant 0 : i32
      %dma_start3A_23 = tpu.memref_slice %arg2[%add3A, %dma_start3A, %dma_start3A_22] : memref<32x80x128xi32, #tpu.memory_space<hbm>> -> memref<1x80x128xi32, #tpu.memory_space<hbm>>
      %dma_start3A_24 = tpu.memref_squeeze %dma_start3A_23 : memref<1x80x128xi32, #tpu.memory_space<hbm>> -> memref<80x128xi32, #tpu.memory_space<hbm>>
      %dma_start3A_25 = arith.constant 0 : i32
      %dma_start3A_26 = arith.constant 0 : i32
      %dma_start3A_27 = tpu.memref_slice %arg2[%add3A, %dma_start3A_25, %dma_start3A_26] : memref<32x80x128xi32, #tpu.memory_space<hbm>> -> memref<1x80x128xi32, #tpu.memory_space<hbm>>
      %dma_start3A_28 = tpu.memref_squeeze %dma_start3A_27 : memref<1x80x128xi32, #tpu.memory_space<hbm>> -> memref<80x128xi32, #tpu.memory_space<hbm>>
      tpu.enqueue_dma source(%dma_start3A_28 : memref<80x128xi32, #tpu.memory_space<hbm>>) target(%arg6 : memref<80x128xi32, #tpu.memory_space<vmem>>) target_semaphore(%run_scoped3A : memref<!tpu.dma_semaphore, #tpu.memory_space<semaphore_mem>>)
      %dma_wait3A = arith.constant 0 : i32
      %dma_wait3A_29 = arith.constant 0 : i32
      %dma_wait3A_30 = tpu.memref_slice %arg2[%add3A, %dma_wait3A, %dma_wait3A_29] : memref<32x80x128xi32, #tpu.memory_space<hbm>> -> memref<1x80x128xi32, #tpu.memory_space<hbm>>
      %dma_wait3A_31 = tpu.memref_squeeze %dma_wait3A_30 : memref<1x80x128xi32, #tpu.memory_space<hbm>> -> memref<80x128xi32, #tpu.memory_space<hbm>>
      %dma_wait3A_32 = arith.constant 0 : i32
      %dma_wait3A_33 = arith.constant 0 : i32
      %dma_wait3A_34 = tpu.memref_slice %arg2[%add3A, %dma_wait3A_32, %dma_wait3A_33] : memref<32x80x128xi32, #tpu.memory_space<hbm>> -> memref<1x80x128xi32, #tpu.memory_space<hbm>>
      %dma_wait3A_35 = tpu.memref_squeeze %dma_wait3A_34 : memref<1x80x128xi32, #tpu.memory_space<hbm>> -> memref<80x128xi32, #tpu.memory_space<hbm>>
      tpu.wait_dma2 semaphore(%run_scoped3A : memref<!tpu.dma_semaphore, #tpu.memory_space<semaphore_mem>>) src(%dma_wait3A_35 : memref<80x128xi32, #tpu.memory_space<hbm>>) dst(%arg6 : memref<80x128xi32, #tpu.memory_space<vmem>>)
      tpu.yield
    }) : () -> ()
    "tpu.region"() ({
      %run_scoped3A = tpu.sem_alloc : memref<!tpu.dma_semaphore, #tpu.memory_space<semaphore_mem>>
      tpu.enqueue_dma source(%arg3 : memref<128xf32, #tpu.memory_space<hbm>>) target(%arg7 : memref<128xf32, #tpu.memory_space<vmem>>) target_semaphore(%run_scoped3A : memref<!tpu.dma_semaphore, #tpu.memory_space<semaphore_mem>>)
      tpu.wait_dma2 semaphore(%run_scoped3A : memref<!tpu.dma_semaphore, #tpu.memory_space<semaphore_mem>>) src(%arg3 : memref<128xf32, #tpu.memory_space<hbm>>) dst(%arg7 : memref<128xf32, #tpu.memory_space<vmem>>)
      tpu.yield
    }) : () -> ()
    %mul3A_1 = arith.constant 640 : i32
    %mul3A_2 = arith.muli %arg1, %mul3A_1 : i32
    "tpu.region"() ({
      %run_scoped3A = tpu.sem_alloc : memref<!tpu.dma_semaphore, #tpu.memory_space<semaphore_mem>>
      %dma_start3A = tpu.memref_slice %arg8[%mul3A_2] : memref<10240xf32, #tpu.memory_space<vmem_shared>> -> memref<640xf32, #tpu.memory_space<vmem_shared>>
      tpu.enqueue_dma source(%arg4 : memref<640xf32, #tpu.memory_space<hbm>>) target(%dma_start3A : memref<640xf32, #tpu.memory_space<vmem_shared>>) target_semaphore(%run_scoped3A : memref<!tpu.dma_semaphore, #tpu.memory_space<semaphore_mem>>)
      %dma_wait3A = tpu.memref_slice %arg8[%mul3A_2] : memref<10240xf32, #tpu.memory_space<vmem_shared>> -> memref<640xf32, #tpu.memory_space<vmem_shared>>
      tpu.wait_dma2 semaphore(%run_scoped3A : memref<!tpu.dma_semaphore, #tpu.memory_space<semaphore_mem>>) src(%arg4 : memref<640xf32, #tpu.memory_space<hbm>>) dst(%dma_wait3A : memref<640xf32, #tpu.memory_space<vmem_shared>>)
      tpu.yield
    }) : () -> ()
    %barrier3A = arith.constant 0 : index
    tpu.barrier barrier_id(%barrier3A)
    %scan3A = arith.constant 0 : i32
    %scan3A_3 = arith.constant 0 : i32
    %scan3A_4 = arith.constant 80 : i32
    %scan3A_5 = arith.addi %scan3A_3, %scan3A_4 : i32
    %scan3A_6 = arith.constant 1 : i32
    scf.for %scan3A_22 = %scan3A_3 to %scan3A_5 step %scan3A_6  : i32 {
      %dma_start3A = arith.constant 0 : i32
      %dma_start3A_23 = tpu.memref_slice %arg6[%scan3A_22, %dma_start3A] : memref<80x128xi32, #tpu.memory_space<vmem>> -> memref<1x128xi32, #tpu.memory_space<vmem>>
      %dma_start3A_24 = tpu.memref_squeeze %dma_start3A_23 : memref<1x128xi32, #tpu.memory_space<vmem>> -> memref<128xi32, #tpu.memory_space<vmem>>
      %dma_start3A_25 = arith.constant 0 : i32
      %dma_start3A_26 = tpu.memref_slice %arg8[%dma_start3A_25] : memref<10240xf32, #tpu.memory_space<vmem_shared>> -> memref<10240xf32, #tpu.memory_space<vmem_shared>>
      tpu.enqueue_indirect_dma source(%arg7 : memref<128xf32, #tpu.memory_space<vmem>>) target(%dma_start3A_26 : memref<10240xf32, #tpu.memory_space<vmem_shared>>) offsets(%dma_start3A_24 : memref<128xi32, #tpu.memory_space<vmem>>) semaphore(%arg9 : memref<!tpu.dma_semaphore, #tpu.memory_space<semaphore_mem>>) {add = true}
    }
    %scan3A_7 = arith.constant 80 : i32
    %scan3A_8 = arith.constant 0 : i32
    %scan3A_9 = arith.constant 0 : i32
    %scan3A_10 = arith.constant 80 : i32
    %scan3A_11 = arith.addi %scan3A_9, %scan3A_10 : i32
    %scan3A_12 = arith.constant 1 : i32
    scf.for %scan3A_22 = %scan3A_9 to %scan3A_11 step %scan3A_12  : i32 {
      %dma_wait3A = arith.constant 0 : i32
      %dma_wait3A_23 = tpu.memref_slice %arg6[%scan3A_22, %dma_wait3A] : memref<80x128xi32, #tpu.memory_space<vmem>> -> memref<1x128xi32, #tpu.memory_space<vmem>>
      %dma_wait3A_24 = tpu.memref_squeeze %dma_wait3A_23 : memref<1x128xi32, #tpu.memory_space<vmem>> -> memref<128xi32, #tpu.memory_space<vmem>>
      %dma_wait3A_25 = arith.constant 0 : i32
      %dma_wait3A_26 = tpu.memref_slice %arg8[%dma_wait3A_25] : memref<10240xf32, #tpu.memory_space<vmem_shared>> -> memref<10240xf32, #tpu.memory_space<vmem_shared>>
      tpu.wait_indirect_dma semaphore(%arg9 : memref<!tpu.dma_semaphore, #tpu.memory_space<semaphore_mem>>) src(%arg7 : memref<128xf32, #tpu.memory_space<vmem>>) dst(%dma_wait3A_26 : memref<10240xf32, #tpu.memory_space<vmem_shared>>)
    }
    %scan3A_13 = arith.constant 80 : i32
    %barrier3A_14 = arith.constant 0 : index
    tpu.barrier barrier_id(%barrier3A_14)
    %mul3A_15 = arith.constant 640 : i32
    %mul3A_16 = arith.muli %arg1, %mul3A_15 : i32
    %mul3A_17 = arith.constant 10240 : i32
    %mul3A_18 = arith.muli %arg0, %mul3A_17 : i32
    %mul3A_19 = arith.constant 640 : i32
    %mul3A_20 = arith.muli %arg1, %mul3A_19 : i32
    %add3A_21 = arith.addi %mul3A_18, %mul3A_20 : i32
    "tpu.region"() ({
      %run_scoped3A = tpu.sem_alloc : memref<!tpu.dma_semaphore, #tpu.memory_space<semaphore_mem>>
      %dma_start3A = tpu.memref_slice %arg5[%add3A_21] : memref<20480xf32, #tpu.memory_space<hbm>> -> memref<640xf32, #tpu.memory_space<hbm>>
      %dma_start3A_22 = tpu.memref_slice %arg8[%mul3A_16] : memref<10240xf32, #tpu.memory_space<vmem_shared>> -> memref<640xf32, #tpu.memory_space<vmem_shared>>
      tpu.enqueue_dma source(%dma_start3A_22 : memref<640xf32, #tpu.memory_space<vmem_shared>>) target(%dma_start3A : memref<640xf32, #tpu.memory_space<hbm>>) target_semaphore(%run_scoped3A : memref<!tpu.dma_semaphore, #tpu.memory_space<semaphore_mem>>)
      %dma_wait3A = tpu.memref_slice %arg5[%add3A_21] : memref<20480xf32, #tpu.memory_space<hbm>> -> memref<640xf32, #tpu.memory_space<hbm>>
      %dma_wait3A_23 = tpu.memref_slice %arg8[%mul3A_16] : memref<10240xf32, #tpu.memory_space<vmem_shared>> -> memref<640xf32, #tpu.memory_space<vmem_shared>>
      tpu.wait_dma2 semaphore(%run_scoped3A : memref<!tpu.dma_semaphore, #tpu.memory_space<semaphore_mem>>) src(%dma_wait3A_23 : memref<640xf32, #tpu.memory_space<vmem_shared>>) dst(%dma_wait3A : memref<640xf32, #tpu.memory_space<hbm>>)
      tpu.yield
    }) : () -> ()
    return
  }
}

#map = affine_map<(d0, d1) -> (0, 0, 0)>
#map1 = affine_map<(d0, d1) -> (0, 0)>
module attributes {stable_mosaic.version = 14 : i64} {
  func.func @scatter_kernel(%arg0: i32, %arg1: i32, %arg2: memref<32x80x128xi32, #tpu.memory_space<hbm>>, %arg3: memref<32x80x128xi32, #tpu.memory_space<hbm>>, %arg4: memref<10000x64xf32, #tpu.memory_space<hbm>>, %arg5: memref<640x64xf32, #tpu.memory_space<hbm>>, %arg6: memref<2x10240x64xf32, #tpu.memory_space<hbm>>, %arg7: memref<80x128xi32, #tpu.memory_space<vmem>>, %arg8: memref<80x128xi32, #tpu.memory_space<vmem>>, %arg9: memref<4x128x64xf32, #tpu.memory_space<vmem>>, %arg10: memref<10240x64xf32, #tpu.memory_space<vmem_shared>>, %arg11: memref<!tpu.dma_semaphore, #tpu.memory_space<semaphore_mem>>, %arg12: memref<!tpu.dma_semaphore, #tpu.memory_space<semaphore_mem>>, %arg13: memref<!tpu.dma_semaphore, #tpu.memory_space<semaphore_mem>>, %arg14: memref<!tpu.dma_semaphore, #tpu.memory_space<semaphore_mem>>) attributes {dimension_semantics = [#tpu.dimension_semantics<core_parallel>, #tpu.dimension_semantics<subcore_parallel>], iteration_bounds = array<i64: 2, 16>, scalar_prefetch = 0 : i64, scratch_operands = 8 : i64, tpu.core_type = #tpu.core_type<sc_vector_subcore>, window_params = [{transform_indices = #map}, {transform_indices = #map}, {transform_indices = #map1}, {transform_indices = #map1}, {transform_indices = #map}]} {
    %mul3A = arith.constant 16 : i32
    %mul3A_0 = arith.muli %arg0, %mul3A : i32
    %add3A = arith.addi %mul3A_0, %arg1 : i32
    "tpu.region"() ({
      %run_scoped3A = tpu.sem_alloc : memref<!tpu.dma_semaphore, #tpu.memory_space<semaphore_mem>>
      %dma_start3A_60 = arith.constant 0 : i32
      %dma_start3A_61 = arith.constant 0 : i32
      %dma_start3A_62 = tpu.memref_slice %arg2[%add3A, %dma_start3A_60, %dma_start3A_61] : memref<32x80x128xi32, #tpu.memory_space<hbm>> -> memref<1x80x128xi32, #tpu.memory_space<hbm>>
      %dma_start3A_63 = tpu.memref_squeeze %dma_start3A_62 : memref<1x80x128xi32, #tpu.memory_space<hbm>> -> memref<80x128xi32, #tpu.memory_space<hbm>>
      %dma_start3A_64 = arith.constant 0 : i32
      %dma_start3A_65 = arith.constant 0 : i32
      %dma_start3A_66 = tpu.memref_slice %arg2[%add3A, %dma_start3A_64, %dma_start3A_65] : memref<32x80x128xi32, #tpu.memory_space<hbm>> -> memref<1x80x128xi32, #tpu.memory_space<hbm>>
      %dma_start3A_67 = tpu.memref_squeeze %dma_start3A_66 : memref<1x80x128xi32, #tpu.memory_space<hbm>> -> memref<80x128xi32, #tpu.memory_space<hbm>>
      tpu.enqueue_dma source(%dma_start3A_67 : memref<80x128xi32, #tpu.memory_space<hbm>>) target(%arg7 : memref<80x128xi32, #tpu.memory_space<vmem>>) target_semaphore(%run_scoped3A : memref<!tpu.dma_semaphore, #tpu.memory_space<semaphore_mem>>)
      %dma_wait3A = arith.constant 0 : i32
      %dma_wait3A_68 = arith.constant 0 : i32
      %dma_wait3A_69 = tpu.memref_slice %arg2[%add3A, %dma_wait3A, %dma_wait3A_68] : memref<32x80x128xi32, #tpu.memory_space<hbm>> -> memref<1x80x128xi32, #tpu.memory_space<hbm>>
      %dma_wait3A_70 = tpu.memref_squeeze %dma_wait3A_69 : memref<1x80x128xi32, #tpu.memory_space<hbm>> -> memref<80x128xi32, #tpu.memory_space<hbm>>
      %dma_wait3A_71 = arith.constant 0 : i32
      %dma_wait3A_72 = arith.constant 0 : i32
      %dma_wait3A_73 = tpu.memref_slice %arg2[%add3A, %dma_wait3A_71, %dma_wait3A_72] : memref<32x80x128xi32, #tpu.memory_space<hbm>> -> memref<1x80x128xi32, #tpu.memory_space<hbm>>
      %dma_wait3A_74 = tpu.memref_squeeze %dma_wait3A_73 : memref<1x80x128xi32, #tpu.memory_space<hbm>> -> memref<80x128xi32, #tpu.memory_space<hbm>>
      tpu.wait_dma2 semaphore(%run_scoped3A : memref<!tpu.dma_semaphore, #tpu.memory_space<semaphore_mem>>) src(%dma_wait3A_74 : memref<80x128xi32, #tpu.memory_space<hbm>>) dst(%arg7 : memref<80x128xi32, #tpu.memory_space<vmem>>)
      tpu.yield
    }) : () -> ()
    "tpu.region"() ({
      %run_scoped3A = tpu.sem_alloc : memref<!tpu.dma_semaphore, #tpu.memory_space<semaphore_mem>>
      %dma_start3A_60 = arith.constant 0 : i32
      %dma_start3A_61 = arith.constant 0 : i32
      %dma_start3A_62 = tpu.memref_slice %arg3[%add3A, %dma_start3A_60, %dma_start3A_61] : memref<32x80x128xi32, #tpu.memory_space<hbm>> -> memref<1x80x128xi32, #tpu.memory_space<hbm>>
      %dma_start3A_63 = tpu.memref_squeeze %dma_start3A_62 : memref<1x80x128xi32, #tpu.memory_space<hbm>> -> memref<80x128xi32, #tpu.memory_space<hbm>>
      %dma_start3A_64 = arith.constant 0 : i32
      %dma_start3A_65 = arith.constant 0 : i32
      %dma_start3A_66 = tpu.memref_slice %arg3[%add3A, %dma_start3A_64, %dma_start3A_65] : memref<32x80x128xi32, #tpu.memory_space<hbm>> -> memref<1x80x128xi32, #tpu.memory_space<hbm>>
      %dma_start3A_67 = tpu.memref_squeeze %dma_start3A_66 : memref<1x80x128xi32, #tpu.memory_space<hbm>> -> memref<80x128xi32, #tpu.memory_space<hbm>>
      tpu.enqueue_dma source(%dma_start3A_67 : memref<80x128xi32, #tpu.memory_space<hbm>>) target(%arg8 : memref<80x128xi32, #tpu.memory_space<vmem>>) target_semaphore(%run_scoped3A : memref<!tpu.dma_semaphore, #tpu.memory_space<semaphore_mem>>)
      %dma_wait3A = arith.constant 0 : i32
      %dma_wait3A_68 = arith.constant 0 : i32
      %dma_wait3A_69 = tpu.memref_slice %arg3[%add3A, %dma_wait3A, %dma_wait3A_68] : memref<32x80x128xi32, #tpu.memory_space<hbm>> -> memref<1x80x128xi32, #tpu.memory_space<hbm>>
      %dma_wait3A_70 = tpu.memref_squeeze %dma_wait3A_69 : memref<1x80x128xi32, #tpu.memory_space<hbm>> -> memref<80x128xi32, #tpu.memory_space<hbm>>
      %dma_wait3A_71 = arith.constant 0 : i32
      %dma_wait3A_72 = arith.constant 0 : i32
      %dma_wait3A_73 = tpu.memref_slice %arg3[%add3A, %dma_wait3A_71, %dma_wait3A_72] : memref<32x80x128xi32, #tpu.memory_space<hbm>> -> memref<1x80x128xi32, #tpu.memory_space<hbm>>
      %dma_wait3A_74 = tpu.memref_squeeze %dma_wait3A_73 : memref<1x80x128xi32, #tpu.memory_space<hbm>> -> memref<80x128xi32, #tpu.memory_space<hbm>>
      tpu.wait_dma2 semaphore(%run_scoped3A : memref<!tpu.dma_semaphore, #tpu.memory_space<semaphore_mem>>) src(%dma_wait3A_74 : memref<80x128xi32, #tpu.memory_space<hbm>>) dst(%arg8 : memref<80x128xi32, #tpu.memory_space<vmem>>)
      tpu.yield
    }) : () -> ()
    %mul3A_1 = arith.constant 640 : i32
    %mul3A_2 = arith.muli %arg1, %mul3A_1 : i32
    "tpu.region"() ({
      %run_scoped3A = tpu.sem_alloc : memref<!tpu.dma_semaphore, #tpu.memory_space<semaphore_mem>>
      %dma_start3A_60 = arith.constant 0 : i32
      %dma_start3A_61 = tpu.memref_slice %arg10[%mul3A_2, %dma_start3A_60] : memref<10240x64xf32, #tpu.memory_space<vmem_shared>> -> memref<640x64xf32, #tpu.memory_space<vmem_shared>>
      tpu.enqueue_dma source(%arg5 : memref<640x64xf32, #tpu.memory_space<hbm>>) target(%dma_start3A_61 : memref<640x64xf32, #tpu.memory_space<vmem_shared>>) target_semaphore(%run_scoped3A : memref<!tpu.dma_semaphore, #tpu.memory_space<semaphore_mem>>)
      %dma_wait3A = arith.constant 0 : i32
      %dma_wait3A_62 = tpu.memref_slice %arg10[%mul3A_2, %dma_wait3A] : memref<10240x64xf32, #tpu.memory_space<vmem_shared>> -> memref<640x64xf32, #tpu.memory_space<vmem_shared>>
      tpu.wait_dma2 semaphore(%run_scoped3A : memref<!tpu.dma_semaphore, #tpu.memory_space<semaphore_mem>>) src(%arg5 : memref<640x64xf32, #tpu.memory_space<hbm>>) dst(%dma_wait3A_62 : memref<640x64xf32, #tpu.memory_space<vmem_shared>>)
      tpu.yield
    }) : () -> ()
    %barrier3A = arith.constant 0 : index
    tpu.barrier barrier_id(%barrier3A)
    %dma_start3A = arith.constant 0 : i32
    %dma_start3A_3 = arith.constant 0 : i32
    %dma_start3A_4 = arith.constant 0 : i32
    %dma_start3A_5 = arith.constant 0 : i32
    %dma_start3A_6 = tpu.memref_slice %arg9[%dma_start3A_3, %dma_start3A_4, %dma_start3A_5] : memref<4x128x64xf32, #tpu.memory_space<vmem>> -> memref<1x128x64xf32, #tpu.memory_space<vmem>>
    %dma_start3A_7 = tpu.memref_squeeze %dma_start3A_6 : memref<1x128x64xf32, #tpu.memory_space<vmem>> -> memref<128x64xf32, #tpu.memory_space<vmem>>
    %dma_start3A_8 = arith.constant 0 : i32
    %dma_start3A_9 = tpu.memref_slice %arg7[%dma_start3A, %dma_start3A_8] : memref<80x128xi32, #tpu.memory_space<vmem>> -> memref<1x128xi32, #tpu.memory_space<vmem>>
    %dma_start3A_10 = tpu.memref_squeeze %dma_start3A_9 : memref<1x128xi32, #tpu.memory_space<vmem>> -> memref<128xi32, #tpu.memory_space<vmem>>
    %dma_start3A_11 = arith.constant 0 : i32
    %dma_start3A_12 = arith.constant 0 : i32
    %dma_start3A_13 = tpu.memref_slice %arg4[%dma_start3A_11, %dma_start3A_12] : memref<10000x64xf32, #tpu.memory_space<hbm>> -> memref<10000x64xf32, #tpu.memory_space<hbm>>
    tpu.enqueue_indirect_dma source(%dma_start3A_13 : memref<10000x64xf32, #tpu.memory_space<hbm>>) target(%dma_start3A_7 : memref<128x64xf32, #tpu.memory_space<vmem>>) offsets(%dma_start3A_10 : memref<128xi32, #tpu.memory_space<vmem>>) semaphore(%arg11 : memref<!tpu.dma_semaphore, #tpu.memory_space<semaphore_mem>>)
    %dma_start3A_14 = arith.constant 1 : i32
    %dma_start3A_15 = arith.constant 1 : i32
    %dma_start3A_16 = arith.constant 0 : i32
    %dma_start3A_17 = arith.constant 0 : i32
    %dma_start3A_18 = tpu.memref_slice %arg9[%dma_start3A_15, %dma_start3A_16, %dma_start3A_17] : memref<4x128x64xf32, #tpu.memory_space<vmem>> -> memref<1x128x64xf32, #tpu.memory_space<vmem>>
    %dma_start3A_19 = tpu.memref_squeeze %dma_start3A_18 : memref<1x128x64xf32, #tpu.memory_space<vmem>> -> memref<128x64xf32, #tpu.memory_space<vmem>>
    %dma_start3A_20 = arith.constant 0 : i32
    %dma_start3A_21 = tpu.memref_slice %arg7[%dma_start3A_14, %dma_start3A_20] : memref<80x128xi32, #tpu.memory_space<vmem>> -> memref<1x128xi32, #tpu.memory_space<vmem>>
    %dma_start3A_22 = tpu.memref_squeeze %dma_start3A_21 : memref<1x128xi32, #tpu.memory_space<vmem>> -> memref<128xi32, #tpu.memory_space<vmem>>
    %dma_start3A_23 = arith.constant 0 : i32
    %dma_start3A_24 = arith.constant 0 : i32
    %dma_start3A_25 = tpu.memref_slice %arg4[%dma_start3A_23, %dma_start3A_24] : memref<10000x64xf32, #tpu.memory_space<hbm>> -> memref<10000x64xf32, #tpu.memory_space<hbm>>
    tpu.enqueue_indirect_dma source(%dma_start3A_25 : memref<10000x64xf32, #tpu.memory_space<hbm>>) target(%dma_start3A_19 : memref<128x64xf32, #tpu.memory_space<vmem>>) offsets(%dma_start3A_22 : memref<128xi32, #tpu.memory_space<vmem>>) semaphore(%arg12 : memref<!tpu.dma_semaphore, #tpu.memory_space<semaphore_mem>>)
    %dma_start3A_26 = arith.constant 2 : i32
    %dma_start3A_27 = arith.constant 2 : i32
    %dma_start3A_28 = arith.constant 0 : i32
    %dma_start3A_29 = arith.constant 0 : i32
    %dma_start3A_30 = tpu.memref_slice %arg9[%dma_start3A_27, %dma_start3A_28, %dma_start3A_29] : memref<4x128x64xf32, #tpu.memory_space<vmem>> -> memref<1x128x64xf32, #tpu.memory_space<vmem>>
    %dma_start3A_31 = tpu.memref_squeeze %dma_start3A_30 : memref<1x128x64xf32, #tpu.memory_space<vmem>> -> memref<128x64xf32, #tpu.memory_space<vmem>>
    %dma_start3A_32 = arith.constant 0 : i32
    %dma_start3A_33 = tpu.memref_slice %arg7[%dma_start3A_26, %dma_start3A_32] : memref<80x128xi32, #tpu.memory_space<vmem>> -> memref<1x128xi32, #tpu.memory_space<vmem>>
    %dma_start3A_34 = tpu.memref_squeeze %dma_start3A_33 : memref<1x128xi32, #tpu.memory_space<vmem>> -> memref<128xi32, #tpu.memory_space<vmem>>
    %dma_start3A_35 = arith.constant 0 : i32
    %dma_start3A_36 = arith.constant 0 : i32
    %dma_start3A_37 = tpu.memref_slice %arg4[%dma_start3A_35, %dma_start3A_36] : memref<10000x64xf32, #tpu.memory_space<hbm>> -> memref<10000x64xf32, #tpu.memory_space<hbm>>
    tpu.enqueue_indirect_dma source(%dma_start3A_37 : memref<10000x64xf32, #tpu.memory_space<hbm>>) target(%dma_start3A_31 : memref<128x64xf32, #tpu.memory_space<vmem>>) offsets(%dma_start3A_34 : memref<128xi32, #tpu.memory_space<vmem>>) semaphore(%arg13 : memref<!tpu.dma_semaphore, #tpu.memory_space<semaphore_mem>>)
    %dma_start3A_38 = arith.constant 3 : i32
    %dma_start3A_39 = arith.constant 3 : i32
    %dma_start3A_40 = arith.constant 0 : i32
    %dma_start3A_41 = arith.constant 0 : i32
    %dma_start3A_42 = tpu.memref_slice %arg9[%dma_start3A_39, %dma_start3A_40, %dma_start3A_41] : memref<4x128x64xf32, #tpu.memory_space<vmem>> -> memref<1x128x64xf32, #tpu.memory_space<vmem>>
    %dma_start3A_43 = tpu.memref_squeeze %dma_start3A_42 : memref<1x128x64xf32, #tpu.memory_space<vmem>> -> memref<128x64xf32, #tpu.memory_space<vmem>>
    %dma_start3A_44 = arith.constant 0 : i32
    %dma_start3A_45 = tpu.memref_slice %arg7[%dma_start3A_38, %dma_start3A_44] : memref<80x128xi32, #tpu.memory_space<vmem>> -> memref<1x128xi32, #tpu.memory_space<vmem>>
    %dma_start3A_46 = tpu.memref_squeeze %dma_start3A_45 : memref<1x128xi32, #tpu.memory_space<vmem>> -> memref<128xi32, #tpu.memory_space<vmem>>
    %dma_start3A_47 = arith.constant 0 : i32
    %dma_start3A_48 = arith.constant 0 : i32
    %dma_start3A_49 = tpu.memref_slice %arg4[%dma_start3A_47, %dma_start3A_48] : memref<10000x64xf32, #tpu.memory_space<hbm>> -> memref<10000x64xf32, #tpu.memory_space<hbm>>
    tpu.enqueue_indirect_dma source(%dma_start3A_49 : memref<10000x64xf32, #tpu.memory_space<hbm>>) target(%dma_start3A_43 : memref<128x64xf32, #tpu.memory_space<vmem>>) offsets(%dma_start3A_46 : memref<128xi32, #tpu.memory_space<vmem>>) semaphore(%arg14 : memref<!tpu.dma_semaphore, #tpu.memory_space<semaphore_mem>>)
    %scan3A = arith.constant 0 : i32
    %scan3A_50 = arith.constant 0 : i32
    %scan3A_51 = arith.constant 20 : i32
    %scan3A_52 = arith.addi %scan3A_50, %scan3A_51 : i32
    %scan3A_53 = arith.constant 1 : i32
    scf.for %scan3A_60 = %scan3A_50 to %scan3A_52 step %scan3A_53  : i32 {
      %mul3A_61 = arith.constant 4 : i32
      %mul3A_62 = arith.muli %scan3A_60, %mul3A_61 : i32
      %add3A_63 = arith.constant 0 : i32
      %add3A_64 = arith.addi %mul3A_62, %add3A_63 : i32
      %dma_wait3A = arith.constant 0 : i32
      %dma_wait3A_65 = arith.constant 0 : i32
      %dma_wait3A_66 = arith.constant 0 : i32
      %dma_wait3A_67 = tpu.memref_slice %arg9[%dma_wait3A, %dma_wait3A_65, %dma_wait3A_66] : memref<4x128x64xf32, #tpu.memory_space<vmem>> -> memref<1x128x64xf32, #tpu.memory_space<vmem>>
      %dma_wait3A_68 = tpu.memref_squeeze %dma_wait3A_67 : memref<1x128x64xf32, #tpu.memory_space<vmem>> -> memref<128x64xf32, #tpu.memory_space<vmem>>
      %dma_wait3A_69 = arith.constant 0 : i32
      %dma_wait3A_70 = tpu.memref_slice %arg7[%add3A_64, %dma_wait3A_69] : memref<80x128xi32, #tpu.memory_space<vmem>> -> memref<1x128xi32, #tpu.memory_space<vmem>>
      %dma_wait3A_71 = tpu.memref_squeeze %dma_wait3A_70 : memref<1x128xi32, #tpu.memory_space<vmem>> -> memref<128xi32, #tpu.memory_space<vmem>>
      %dma_wait3A_72 = arith.constant 0 : i32
      %dma_wait3A_73 = arith.constant 0 : i32
      %dma_wait3A_74 = tpu.memref_slice %arg4[%dma_wait3A_72, %dma_wait3A_73] : memref<10000x64xf32, #tpu.memory_space<hbm>> -> memref<10000x64xf32, #tpu.memory_space<hbm>>
      tpu.wait_indirect_dma semaphore(%arg11 : memref<!tpu.dma_semaphore, #tpu.memory_space<semaphore_mem>>) src(%dma_wait3A_74 : memref<10000x64xf32, #tpu.memory_space<hbm>>) dst(%dma_wait3A_68 : memref<128x64xf32, #tpu.memory_space<vmem>>)
      %run_scoped3A = arith.constant 0 : i32
      "tpu.region"() ({
        %run_scoped3A_140 = tpu.sem_alloc : memref<!tpu.dma_semaphore, #tpu.memory_space<semaphore_mem>>
        %dma_start3A_141 = arith.constant 0 : i32
        %dma_start3A_142 = arith.constant 0 : i32
        %dma_start3A_143 = tpu.memref_slice %arg9[%run_scoped3A, %dma_start3A_141, %dma_start3A_142] : memref<4x128x64xf32, #tpu.memory_space<vmem>> -> memref<1x128x64xf32, #tpu.memory_space<vmem>>
        %dma_start3A_144 = tpu.memref_squeeze %dma_start3A_143 : memref<1x128x64xf32, #tpu.memory_space<vmem>> -> memref<128x64xf32, #tpu.memory_space<vmem>>
        %dma_start3A_145 = arith.constant 0 : i32
        %dma_start3A_146 = tpu.memref_slice %arg8[%add3A_64, %dma_start3A_145] : memref<80x128xi32, #tpu.memory_space<vmem>> -> memref<1x128xi32, #tpu.memory_space<vmem>>
        %dma_start3A_147 = tpu.memref_squeeze %dma_start3A_146 : memref<1x128xi32, #tpu.memory_space<vmem>> -> memref<128xi32, #tpu.memory_space<vmem>>
        %dma_start3A_148 = arith.constant 0 : i32
        %dma_start3A_149 = arith.constant 0 : i32
        %dma_start3A_150 = tpu.memref_slice %arg10[%dma_start3A_148, %dma_start3A_149] : memref<10240x64xf32, #tpu.memory_space<vmem_shared>> -> memref<10240x64xf32, #tpu.memory_space<vmem_shared>>
        tpu.enqueue_indirect_dma source(%dma_start3A_144 : memref<128x64xf32, #tpu.memory_space<vmem>>) target(%dma_start3A_150 : memref<10240x64xf32, #tpu.memory_space<vmem_shared>>) offsets(%dma_start3A_147 : memref<128xi32, #tpu.memory_space<vmem>>) semaphore(%run_scoped3A_140 : memref<!tpu.dma_semaphore, #tpu.memory_space<semaphore_mem>>) {add = true}
        %dma_wait3A_151 = arith.constant 0 : i32
        %dma_wait3A_152 = arith.constant 0 : i32
        %dma_wait3A_153 = tpu.memref_slice %arg9[%run_scoped3A, %dma_wait3A_151, %dma_wait3A_152] : memref<4x128x64xf32, #tpu.memory_space<vmem>> -> memref<1x128x64xf32, #tpu.memory_space<vmem>>
        %dma_wait3A_154 = tpu.memref_squeeze %dma_wait3A_153 : memref<1x128x64xf32, #tpu.memory_space<vmem>> -> memref<128x64xf32, #tpu.memory_space<vmem>>
        %dma_wait3A_155 = arith.constant 0 : i32
        %dma_wait3A_156 = tpu.memref_slice %arg8[%add3A_64, %dma_wait3A_155] : memref<80x128xi32, #tpu.memory_space<vmem>> -> memref<1x128xi32, #tpu.memory_space<vmem>>
        %dma_wait3A_157 = tpu.memref_squeeze %dma_wait3A_156 : memref<1x128xi32, #tpu.memory_space<vmem>> -> memref<128xi32, #tpu.memory_space<vmem>>
        %dma_wait3A_158 = arith.constant 0 : i32
        %dma_wait3A_159 = arith.constant 0 : i32
        %dma_wait3A_160 = tpu.memref_slice %arg10[%dma_wait3A_158, %dma_wait3A_159] : memref<10240x64xf32, #tpu.memory_space<vmem_shared>> -> memref<10240x64xf32, #tpu.memory_space<vmem_shared>>
        tpu.wait_indirect_dma semaphore(%run_scoped3A_140 : memref<!tpu.dma_semaphore, #tpu.memory_space<semaphore_mem>>) src(%dma_wait3A_154 : memref<128x64xf32, #tpu.memory_space<vmem>>) dst(%dma_wait3A_160 : memref<10240x64xf32, #tpu.memory_space<vmem_shared>>)
        tpu.yield
      }) : () -> ()
      %lt3A = arith.constant 19 : i32
      %lt3A_75 = arith.cmpi slt, %scan3A_60, %lt3A : i32
      %convert_element_type3A = arith.extui %lt3A_75 : i1 to i32
      %cond3A = arith.constant 0 : i32
      %cond3A_76 = arith.cmpi ne, %convert_element_type3A, %cond3A : i32
      scf.if %cond3A_76 {
        %add3A_140 = arith.constant 4 : i32
        %add3A_141 = arith.addi %add3A_64, %add3A_140 : i32
        %dma_start3A_142 = arith.constant 0 : i32
        %dma_start3A_143 = arith.constant 0 : i32
        %dma_start3A_144 = arith.constant 0 : i32
        %dma_start3A_145 = tpu.memref_slice %arg9[%dma_start3A_142, %dma_start3A_143, %dma_start3A_144] : memref<4x128x64xf32, #tpu.memory_space<vmem>> -> memref<1x128x64xf32, #tpu.memory_space<vmem>>
        %dma_start3A_146 = tpu.memref_squeeze %dma_start3A_145 : memref<1x128x64xf32, #tpu.memory_space<vmem>> -> memref<128x64xf32, #tpu.memory_space<vmem>>
        %dma_start3A_147 = arith.constant 0 : i32
        %dma_start3A_148 = tpu.memref_slice %arg7[%add3A_141, %dma_start3A_147] : memref<80x128xi32, #tpu.memory_space<vmem>> -> memref<1x128xi32, #tpu.memory_space<vmem>>
        %dma_start3A_149 = tpu.memref_squeeze %dma_start3A_148 : memref<1x128xi32, #tpu.memory_space<vmem>> -> memref<128xi32, #tpu.memory_space<vmem>>
        %dma_start3A_150 = arith.constant 0 : i32
        %dma_start3A_151 = arith.constant 0 : i32
        %dma_start3A_152 = tpu.memref_slice %arg4[%dma_start3A_150, %dma_start3A_151] : memref<10000x64xf32, #tpu.memory_space<hbm>> -> memref<10000x64xf32, #tpu.memory_space<hbm>>
        tpu.enqueue_indirect_dma source(%dma_start3A_152 : memref<10000x64xf32, #tpu.memory_space<hbm>>) target(%dma_start3A_146 : memref<128x64xf32, #tpu.memory_space<vmem>>) offsets(%dma_start3A_149 : memref<128xi32, #tpu.memory_space<vmem>>) semaphore(%arg11 : memref<!tpu.dma_semaphore, #tpu.memory_space<semaphore_mem>>)
      } else {
      }
      %mul3A_77 = arith.constant 4 : i32
      %mul3A_78 = arith.muli %scan3A_60, %mul3A_77 : i32
      %add3A_79 = arith.constant 1 : i32
      %add3A_80 = arith.addi %mul3A_78, %add3A_79 : i32
      %dma_wait3A_81 = arith.constant 1 : i32
      %dma_wait3A_82 = arith.constant 0 : i32
      %dma_wait3A_83 = arith.constant 0 : i32
      %dma_wait3A_84 = tpu.memref_slice %arg9[%dma_wait3A_81, %dma_wait3A_82, %dma_wait3A_83] : memref<4x128x64xf32, #tpu.memory_space<vmem>> -> memref<1x128x64xf32, #tpu.memory_space<vmem>>
      %dma_wait3A_85 = tpu.memref_squeeze %dma_wait3A_84 : memref<1x128x64xf32, #tpu.memory_space<vmem>> -> memref<128x64xf32, #tpu.memory_space<vmem>>
      %dma_wait3A_86 = arith.constant 0 : i32
      %dma_wait3A_87 = tpu.memref_slice %arg7[%add3A_80, %dma_wait3A_86] : memref<80x128xi32, #tpu.memory_space<vmem>> -> memref<1x128xi32, #tpu.memory_space<vmem>>
      %dma_wait3A_88 = tpu.memref_squeeze %dma_wait3A_87 : memref<1x128xi32, #tpu.memory_space<vmem>> -> memref<128xi32, #tpu.memory_space<vmem>>
      %dma_wait3A_89 = arith.constant 0 : i32
      %dma_wait3A_90 = arith.constant 0 : i32
      %dma_wait3A_91 = tpu.memref_slice %arg4[%dma_wait3A_89, %dma_wait3A_90] : memref<10000x64xf32, #tpu.memory_space<hbm>> -> memref<10000x64xf32, #tpu.memory_space<hbm>>
      tpu.wait_indirect_dma semaphore(%arg12 : memref<!tpu.dma_semaphore, #tpu.memory_space<semaphore_mem>>) src(%dma_wait3A_91 : memref<10000x64xf32, #tpu.memory_space<hbm>>) dst(%dma_wait3A_85 : memref<128x64xf32, #tpu.memory_space<vmem>>)
      %run_scoped3A_92 = arith.constant 1 : i32
      "tpu.region"() ({
        %run_scoped3A_140 = tpu.sem_alloc : memref<!tpu.dma_semaphore, #tpu.memory_space<semaphore_mem>>
        %dma_start3A_141 = arith.constant 0 : i32
        %dma_start3A_142 = arith.constant 0 : i32
        %dma_start3A_143 = tpu.memref_slice %arg9[%run_scoped3A_92, %dma_start3A_141, %dma_start3A_142] : memref<4x128x64xf32, #tpu.memory_space<vmem>> -> memref<1x128x64xf32, #tpu.memory_space<vmem>>
        %dma_start3A_144 = tpu.memref_squeeze %dma_start3A_143 : memref<1x128x64xf32, #tpu.memory_space<vmem>> -> memref<128x64xf32, #tpu.memory_space<vmem>>
        %dma_start3A_145 = arith.constant 0 : i32
        %dma_start3A_146 = tpu.memref_slice %arg8[%add3A_80, %dma_start3A_145] : memref<80x128xi32, #tpu.memory_space<vmem>> -> memref<1x128xi32, #tpu.memory_space<vmem>>
        %dma_start3A_147 = tpu.memref_squeeze %dma_start3A_146 : memref<1x128xi32, #tpu.memory_space<vmem>> -> memref<128xi32, #tpu.memory_space<vmem>>
        %dma_start3A_148 = arith.constant 0 : i32
        %dma_start3A_149 = arith.constant 0 : i32
        %dma_start3A_150 = tpu.memref_slice %arg10[%dma_start3A_148, %dma_start3A_149] : memref<10240x64xf32, #tpu.memory_space<vmem_shared>> -> memref<10240x64xf32, #tpu.memory_space<vmem_shared>>
        tpu.enqueue_indirect_dma source(%dma_start3A_144 : memref<128x64xf32, #tpu.memory_space<vmem>>) target(%dma_start3A_150 : memref<10240x64xf32, #tpu.memory_space<vmem_shared>>) offsets(%dma_start3A_147 : memref<128xi32, #tpu.memory_space<vmem>>) semaphore(%run_scoped3A_140 : memref<!tpu.dma_semaphore, #tpu.memory_space<semaphore_mem>>) {add = true}
        %dma_wait3A_151 = arith.constant 0 : i32
        %dma_wait3A_152 = arith.constant 0 : i32
        %dma_wait3A_153 = tpu.memref_slice %arg9[%run_scoped3A_92, %dma_wait3A_151, %dma_wait3A_152] : memref<4x128x64xf32, #tpu.memory_space<vmem>> -> memref<1x128x64xf32, #tpu.memory_space<vmem>>
        %dma_wait3A_154 = tpu.memref_squeeze %dma_wait3A_153 : memref<1x128x64xf32, #tpu.memory_space<vmem>> -> memref<128x64xf32, #tpu.memory_space<vmem>>
        %dma_wait3A_155 = arith.constant 0 : i32
        %dma_wait3A_156 = tpu.memref_slice %arg8[%add3A_80, %dma_wait3A_155] : memref<80x128xi32, #tpu.memory_space<vmem>> -> memref<1x128xi32, #tpu.memory_space<vmem>>
        %dma_wait3A_157 = tpu.memref_squeeze %dma_wait3A_156 : memref<1x128xi32, #tpu.memory_space<vmem>> -> memref<128xi32, #tpu.memory_space<vmem>>
        %dma_wait3A_158 = arith.constant 0 : i32
        %dma_wait3A_159 = arith.constant 0 : i32
        %dma_wait3A_160 = tpu.memref_slice %arg10[%dma_wait3A_158, %dma_wait3A_159] : memref<10240x64xf32, #tpu.memory_space<vmem_shared>> -> memref<10240x64xf32, #tpu.memory_space<vmem_shared>>
        tpu.wait_indirect_dma semaphore(%run_scoped3A_140 : memref<!tpu.dma_semaphore, #tpu.memory_space<semaphore_mem>>) src(%dma_wait3A_154 : memref<128x64xf32, #tpu.memory_space<vmem>>) dst(%dma_wait3A_160 : memref<10240x64xf32, #tpu.memory_space<vmem_shared>>)
        tpu.yield
      }) : () -> ()
      %lt3A_93 = arith.constant 19 : i32
      %lt3A_94 = arith.cmpi slt, %scan3A_60, %lt3A_93 : i32
      %convert_element_type3A_95 = arith.extui %lt3A_94 : i1 to i32
      %cond3A_96 = arith.constant 0 : i32
      %cond3A_97 = arith.cmpi ne, %convert_element_type3A_95, %cond3A_96 : i32
      scf.if %cond3A_97 {
        %add3A_140 = arith.constant 4 : i32
        %add3A_141 = arith.addi %add3A_80, %add3A_140 : i32
        %dma_start3A_142 = arith.constant 1 : i32
        %dma_start3A_143 = arith.constant 0 : i32
        %dma_start3A_144 = arith.constant 0 : i32
        %dma_start3A_145 = tpu.memref_slice %arg9[%dma_start3A_142, %dma_start3A_143, %dma_start3A_144] : memref<4x128x64xf32, #tpu.memory_space<vmem>> -> memref<1x128x64xf32, #tpu.memory_space<vmem>>
        %dma_start3A_146 = tpu.memref_squeeze %dma_start3A_145 : memref<1x128x64xf32, #tpu.memory_space<vmem>> -> memref<128x64xf32, #tpu.memory_space<vmem>>
        %dma_start3A_147 = arith.constant 0 : i32
        %dma_start3A_148 = tpu.memref_slice %arg7[%add3A_141, %dma_start3A_147] : memref<80x128xi32, #tpu.memory_space<vmem>> -> memref<1x128xi32, #tpu.memory_space<vmem>>
        %dma_start3A_149 = tpu.memref_squeeze %dma_start3A_148 : memref<1x128xi32, #tpu.memory_space<vmem>> -> memref<128xi32, #tpu.memory_space<vmem>>
        %dma_start3A_150 = arith.constant 0 : i32
        %dma_start3A_151 = arith.constant 0 : i32
        %dma_start3A_152 = tpu.memref_slice %arg4[%dma_start3A_150, %dma_start3A_151] : memref<10000x64xf32, #tpu.memory_space<hbm>> -> memref<10000x64xf32, #tpu.memory_space<hbm>>
        tpu.enqueue_indirect_dma source(%dma_start3A_152 : memref<10000x64xf32, #tpu.memory_space<hbm>>) target(%dma_start3A_146 : memref<128x64xf32, #tpu.memory_space<vmem>>) offsets(%dma_start3A_149 : memref<128xi32, #tpu.memory_space<vmem>>) semaphore(%arg12 : memref<!tpu.dma_semaphore, #tpu.memory_space<semaphore_mem>>)
      } else {
      }
      %mul3A_98 = arith.constant 4 : i32
      %mul3A_99 = arith.muli %scan3A_60, %mul3A_98 : i32
      %add3A_100 = arith.constant 2 : i32
      %add3A_101 = arith.addi %mul3A_99, %add3A_100 : i32
      %dma_wait3A_102 = arith.constant 2 : i32
      %dma_wait3A_103 = arith.constant 0 : i32
      %dma_wait3A_104 = arith.constant 0 : i32
      %dma_wait3A_105 = tpu.memref_slice %arg9[%dma_wait3A_102, %dma_wait3A_103, %dma_wait3A_104] : memref<4x128x64xf32, #tpu.memory_space<vmem>> -> memref<1x128x64xf32, #tpu.memory_space<vmem>>
      %dma_wait3A_106 = tpu.memref_squeeze %dma_wait3A_105 : memref<1x128x64xf32, #tpu.memory_space<vmem>> -> memref<128x64xf32, #tpu.memory_space<vmem>>
      %dma_wait3A_107 = arith.constant 0 : i32
      %dma_wait3A_108 = tpu.memref_slice %arg7[%add3A_101, %dma_wait3A_107] : memref<80x128xi32, #tpu.memory_space<vmem>> -> memref<1x128xi32, #tpu.memory_space<vmem>>
      %dma_wait3A_109 = tpu.memref_squeeze %dma_wait3A_108 : memref<1x128xi32, #tpu.memory_space<vmem>> -> memref<128xi32, #tpu.memory_space<vmem>>
      %dma_wait3A_110 = arith.constant 0 : i32
      %dma_wait3A_111 = arith.constant 0 : i32
      %dma_wait3A_112 = tpu.memref_slice %arg4[%dma_wait3A_110, %dma_wait3A_111] : memref<10000x64xf32, #tpu.memory_space<hbm>> -> memref<10000x64xf32, #tpu.memory_space<hbm>>
      tpu.wait_indirect_dma semaphore(%arg13 : memref<!tpu.dma_semaphore, #tpu.memory_space<semaphore_mem>>) src(%dma_wait3A_112 : memref<10000x64xf32, #tpu.memory_space<hbm>>) dst(%dma_wait3A_106 : memref<128x64xf32, #tpu.memory_space<vmem>>)
      %run_scoped3A_113 = arith.constant 2 : i32
      "tpu.region"() ({
        %run_scoped3A_140 = tpu.sem_alloc : memref<!tpu.dma_semaphore, #tpu.memory_space<semaphore_mem>>
        %dma_start3A_141 = arith.constant 0 : i32
        %dma_start3A_142 = arith.constant 0 : i32
        %dma_start3A_143 = tpu.memref_slice %arg9[%run_scoped3A_113, %dma_start3A_141, %dma_start3A_142] : memref<4x128x64xf32, #tpu.memory_space<vmem>> -> memref<1x128x64xf32, #tpu.memory_space<vmem>>
        %dma_start3A_144 = tpu.memref_squeeze %dma_start3A_143 : memref<1x128x64xf32, #tpu.memory_space<vmem>> -> memref<128x64xf32, #tpu.memory_space<vmem>>
        %dma_start3A_145 = arith.constant 0 : i32
        %dma_start3A_146 = tpu.memref_slice %arg8[%add3A_101, %dma_start3A_145] : memref<80x128xi32, #tpu.memory_space<vmem>> -> memref<1x128xi32, #tpu.memory_space<vmem>>
        %dma_start3A_147 = tpu.memref_squeeze %dma_start3A_146 : memref<1x128xi32, #tpu.memory_space<vmem>> -> memref<128xi32, #tpu.memory_space<vmem>>
        %dma_start3A_148 = arith.constant 0 : i32
        %dma_start3A_149 = arith.constant 0 : i32
        %dma_start3A_150 = tpu.memref_slice %arg10[%dma_start3A_148, %dma_start3A_149] : memref<10240x64xf32, #tpu.memory_space<vmem_shared>> -> memref<10240x64xf32, #tpu.memory_space<vmem_shared>>
        tpu.enqueue_indirect_dma source(%dma_start3A_144 : memref<128x64xf32, #tpu.memory_space<vmem>>) target(%dma_start3A_150 : memref<10240x64xf32, #tpu.memory_space<vmem_shared>>) offsets(%dma_start3A_147 : memref<128xi32, #tpu.memory_space<vmem>>) semaphore(%run_scoped3A_140 : memref<!tpu.dma_semaphore, #tpu.memory_space<semaphore_mem>>) {add = true}
        %dma_wait3A_151 = arith.constant 0 : i32
        %dma_wait3A_152 = arith.constant 0 : i32
        %dma_wait3A_153 = tpu.memref_slice %arg9[%run_scoped3A_113, %dma_wait3A_151, %dma_wait3A_152] : memref<4x128x64xf32, #tpu.memory_space<vmem>> -> memref<1x128x64xf32, #tpu.memory_space<vmem>>
        %dma_wait3A_154 = tpu.memref_squeeze %dma_wait3A_153 : memref<1x128x64xf32, #tpu.memory_space<vmem>> -> memref<128x64xf32, #tpu.memory_space<vmem>>
        %dma_wait3A_155 = arith.constant 0 : i32
        %dma_wait3A_156 = tpu.memref_slice %arg8[%add3A_101, %dma_wait3A_155] : memref<80x128xi32, #tpu.memory_space<vmem>> -> memref<1x128xi32, #tpu.memory_space<vmem>>
        %dma_wait3A_157 = tpu.memref_squeeze %dma_wait3A_156 : memref<1x128xi32, #tpu.memory_space<vmem>> -> memref<128xi32, #tpu.memory_space<vmem>>
        %dma_wait3A_158 = arith.constant 0 : i32
        %dma_wait3A_159 = arith.constant 0 : i32
        %dma_wait3A_160 = tpu.memref_slice %arg10[%dma_wait3A_158, %dma_wait3A_159] : memref<10240x64xf32, #tpu.memory_space<vmem_shared>> -> memref<10240x64xf32, #tpu.memory_space<vmem_shared>>
        tpu.wait_indirect_dma semaphore(%run_scoped3A_140 : memref<!tpu.dma_semaphore, #tpu.memory_space<semaphore_mem>>) src(%dma_wait3A_154 : memref<128x64xf32, #tpu.memory_space<vmem>>) dst(%dma_wait3A_160 : memref<10240x64xf32, #tpu.memory_space<vmem_shared>>)
        tpu.yield
      }) : () -> ()
      %lt3A_114 = arith.constant 19 : i32
      %lt3A_115 = arith.cmpi slt, %scan3A_60, %lt3A_114 : i32
      %convert_element_type3A_116 = arith.extui %lt3A_115 : i1 to i32
      %cond3A_117 = arith.constant 0 : i32
      %cond3A_118 = arith.cmpi ne, %convert_element_type3A_116, %cond3A_117 : i32
      scf.if %cond3A_118 {
        %add3A_140 = arith.constant 4 : i32
        %add3A_141 = arith.addi %add3A_101, %add3A_140 : i32
        %dma_start3A_142 = arith.constant 2 : i32
        %dma_start3A_143 = arith.constant 0 : i32
        %dma_start3A_144 = arith.constant 0 : i32
        %dma_start3A_145 = tpu.memref_slice %arg9[%dma_start3A_142, %dma_start3A_143, %dma_start3A_144] : memref<4x128x64xf32, #tpu.memory_space<vmem>> -> memref<1x128x64xf32, #tpu.memory_space<vmem>>
        %dma_start3A_146 = tpu.memref_squeeze %dma_start3A_145 : memref<1x128x64xf32, #tpu.memory_space<vmem>> -> memref<128x64xf32, #tpu.memory_space<vmem>>
        %dma_start3A_147 = arith.constant 0 : i32
        %dma_start3A_148 = tpu.memref_slice %arg7[%add3A_141, %dma_start3A_147] : memref<80x128xi32, #tpu.memory_space<vmem>> -> memref<1x128xi32, #tpu.memory_space<vmem>>
        %dma_start3A_149 = tpu.memref_squeeze %dma_start3A_148 : memref<1x128xi32, #tpu.memory_space<vmem>> -> memref<128xi32, #tpu.memory_space<vmem>>
        %dma_start3A_150 = arith.constant 0 : i32
        %dma_start3A_151 = arith.constant 0 : i32
        %dma_start3A_152 = tpu.memref_slice %arg4[%dma_start3A_150, %dma_start3A_151] : memref<10000x64xf32, #tpu.memory_space<hbm>> -> memref<10000x64xf32, #tpu.memory_space<hbm>>
        tpu.enqueue_indirect_dma source(%dma_start3A_152 : memref<10000x64xf32, #tpu.memory_space<hbm>>) target(%dma_start3A_146 : memref<128x64xf32, #tpu.memory_space<vmem>>) offsets(%dma_start3A_149 : memref<128xi32, #tpu.memory_space<vmem>>) semaphore(%arg13 : memref<!tpu.dma_semaphore, #tpu.memory_space<semaphore_mem>>)
      } else {
      }
      %mul3A_119 = arith.constant 4 : i32
      %mul3A_120 = arith.muli %scan3A_60, %mul3A_119 : i32
      %add3A_121 = arith.constant 3 : i32
      %add3A_122 = arith.addi %mul3A_120, %add3A_121 : i32
      %dma_wait3A_123 = arith.constant 3 : i32
      %dma_wait3A_124 = arith.constant 0 : i32
      %dma_wait3A_125 = arith.constant 0 : i32
      %dma_wait3A_126 = tpu.memref_slice %arg9[%dma_wait3A_123, %dma_wait3A_124, %dma_wait3A_125] : memref<4x128x64xf32, #tpu.memory_space<vmem>> -> memref<1x128x64xf32, #tpu.memory_space<vmem>>
      %dma_wait3A_127 = tpu.memref_squeeze %dma_wait3A_126 : memref<1x128x64xf32, #tpu.memory_space<vmem>> -> memref<128x64xf32, #tpu.memory_space<vmem>>
      %dma_wait3A_128 = arith.constant 0 : i32
      %dma_wait3A_129 = tpu.memref_slice %arg7[%add3A_122, %dma_wait3A_128] : memref<80x128xi32, #tpu.memory_space<vmem>> -> memref<1x128xi32, #tpu.memory_space<vmem>>
      %dma_wait3A_130 = tpu.memref_squeeze %dma_wait3A_129 : memref<1x128xi32, #tpu.memory_space<vmem>> -> memref<128xi32, #tpu.memory_space<vmem>>
      %dma_wait3A_131 = arith.constant 0 : i32
      %dma_wait3A_132 = arith.constant 0 : i32
      %dma_wait3A_133 = tpu.memref_slice %arg4[%dma_wait3A_131, %dma_wait3A_132] : memref<10000x64xf32, #tpu.memory_space<hbm>> -> memref<10000x64xf32, #tpu.memory_space<hbm>>
      tpu.wait_indirect_dma semaphore(%arg14 : memref<!tpu.dma_semaphore, #tpu.memory_space<semaphore_mem>>) src(%dma_wait3A_133 : memref<10000x64xf32, #tpu.memory_space<hbm>>) dst(%dma_wait3A_127 : memref<128x64xf32, #tpu.memory_space<vmem>>)
      %run_scoped3A_134 = arith.constant 3 : i32
      "tpu.region"() ({
        %run_scoped3A_140 = tpu.sem_alloc : memref<!tpu.dma_semaphore, #tpu.memory_space<semaphore_mem>>
        %dma_start3A_141 = arith.constant 0 : i32
        %dma_start3A_142 = arith.constant 0 : i32
        %dma_start3A_143 = tpu.memref_slice %arg9[%run_scoped3A_134, %dma_start3A_141, %dma_start3A_142] : memref<4x128x64xf32, #tpu.memory_space<vmem>> -> memref<1x128x64xf32, #tpu.memory_space<vmem>>
        %dma_start3A_144 = tpu.memref_squeeze %dma_start3A_143 : memref<1x128x64xf32, #tpu.memory_space<vmem>> -> memref<128x64xf32, #tpu.memory_space<vmem>>
        %dma_start3A_145 = arith.constant 0 : i32
        %dma_start3A_146 = tpu.memref_slice %arg8[%add3A_122, %dma_start3A_145] : memref<80x128xi32, #tpu.memory_space<vmem>> -> memref<1x128xi32, #tpu.memory_space<vmem>>
        %dma_start3A_147 = tpu.memref_squeeze %dma_start3A_146 : memref<1x128xi32, #tpu.memory_space<vmem>> -> memref<128xi32, #tpu.memory_space<vmem>>
        %dma_start3A_148 = arith.constant 0 : i32
        %dma_start3A_149 = arith.constant 0 : i32
        %dma_start3A_150 = tpu.memref_slice %arg10[%dma_start3A_148, %dma_start3A_149] : memref<10240x64xf32, #tpu.memory_space<vmem_shared>> -> memref<10240x64xf32, #tpu.memory_space<vmem_shared>>
        tpu.enqueue_indirect_dma source(%dma_start3A_144 : memref<128x64xf32, #tpu.memory_space<vmem>>) target(%dma_start3A_150 : memref<10240x64xf32, #tpu.memory_space<vmem_shared>>) offsets(%dma_start3A_147 : memref<128xi32, #tpu.memory_space<vmem>>) semaphore(%run_scoped3A_140 : memref<!tpu.dma_semaphore, #tpu.memory_space<semaphore_mem>>) {add = true}
        %dma_wait3A_151 = arith.constant 0 : i32
        %dma_wait3A_152 = arith.constant 0 : i32
        %dma_wait3A_153 = tpu.memref_slice %arg9[%run_scoped3A_134, %dma_wait3A_151, %dma_wait3A_152] : memref<4x128x64xf32, #tpu.memory_space<vmem>> -> memref<1x128x64xf32, #tpu.memory_space<vmem>>
        %dma_wait3A_154 = tpu.memref_squeeze %dma_wait3A_153 : memref<1x128x64xf32, #tpu.memory_space<vmem>> -> memref<128x64xf32, #tpu.memory_space<vmem>>
        %dma_wait3A_155 = arith.constant 0 : i32
        %dma_wait3A_156 = tpu.memref_slice %arg8[%add3A_122, %dma_wait3A_155] : memref<80x128xi32, #tpu.memory_space<vmem>> -> memref<1x128xi32, #tpu.memory_space<vmem>>
        %dma_wait3A_157 = tpu.memref_squeeze %dma_wait3A_156 : memref<1x128xi32, #tpu.memory_space<vmem>> -> memref<128xi32, #tpu.memory_space<vmem>>
        %dma_wait3A_158 = arith.constant 0 : i32
        %dma_wait3A_159 = arith.constant 0 : i32
        %dma_wait3A_160 = tpu.memref_slice %arg10[%dma_wait3A_158, %dma_wait3A_159] : memref<10240x64xf32, #tpu.memory_space<vmem_shared>> -> memref<10240x64xf32, #tpu.memory_space<vmem_shared>>
        tpu.wait_indirect_dma semaphore(%run_scoped3A_140 : memref<!tpu.dma_semaphore, #tpu.memory_space<semaphore_mem>>) src(%dma_wait3A_154 : memref<128x64xf32, #tpu.memory_space<vmem>>) dst(%dma_wait3A_160 : memref<10240x64xf32, #tpu.memory_space<vmem_shared>>)
        tpu.yield
      }) : () -> ()
      %lt3A_135 = arith.constant 19 : i32
      %lt3A_136 = arith.cmpi slt, %scan3A_60, %lt3A_135 : i32
      %convert_element_type3A_137 = arith.extui %lt3A_136 : i1 to i32
      %cond3A_138 = arith.constant 0 : i32
      %cond3A_139 = arith.cmpi ne, %convert_element_type3A_137, %cond3A_138 : i32
      scf.if %cond3A_139 {
        %add3A_140 = arith.constant 4 : i32
        %add3A_141 = arith.addi %add3A_122, %add3A_140 : i32
        %dma_start3A_142 = arith.constant 3 : i32
        %dma_start3A_143 = arith.constant 0 : i32
        %dma_start3A_144 = arith.constant 0 : i32
        %dma_start3A_145 = tpu.memref_slice %arg9[%dma_start3A_142, %dma_start3A_143, %dma_start3A_144] : memref<4x128x64xf32, #tpu.memory_space<vmem>> -> memref<1x128x64xf32, #tpu.memory_space<vmem>>
        %dma_start3A_146 = tpu.memref_squeeze %dma_start3A_145 : memref<1x128x64xf32, #tpu.memory_space<vmem>> -> memref<128x64xf32, #tpu.memory_space<vmem>>
        %dma_start3A_147 = arith.constant 0 : i32
        %dma_start3A_148 = tpu.memref_slice %arg7[%add3A_141, %dma_start3A_147] : memref<80x128xi32, #tpu.memory_space<vmem>> -> memref<1x128xi32, #tpu.memory_space<vmem>>
        %dma_start3A_149 = tpu.memref_squeeze %dma_start3A_148 : memref<1x128xi32, #tpu.memory_space<vmem>> -> memref<128xi32, #tpu.memory_space<vmem>>
        %dma_start3A_150 = arith.constant 0 : i32
        %dma_start3A_151 = arith.constant 0 : i32
        %dma_start3A_152 = tpu.memref_slice %arg4[%dma_start3A_150, %dma_start3A_151] : memref<10000x64xf32, #tpu.memory_space<hbm>> -> memref<10000x64xf32, #tpu.memory_space<hbm>>
        tpu.enqueue_indirect_dma source(%dma_start3A_152 : memref<10000x64xf32, #tpu.memory_space<hbm>>) target(%dma_start3A_146 : memref<128x64xf32, #tpu.memory_space<vmem>>) offsets(%dma_start3A_149 : memref<128xi32, #tpu.memory_space<vmem>>) semaphore(%arg14 : memref<!tpu.dma_semaphore, #tpu.memory_space<semaphore_mem>>)
      } else {
      }
    }
    %scan3A_54 = arith.constant 20 : i32
    %barrier3A_55 = arith.constant 0 : index
    tpu.barrier barrier_id(%barrier3A_55)
    %mul3A_56 = arith.constant 640 : i32
    %mul3A_57 = arith.muli %arg1, %mul3A_56 : i32
    %mul3A_58 = arith.constant 640 : i32
    %mul3A_59 = arith.muli %arg1, %mul3A_58 : i32
    "tpu.region"() ({
      %run_scoped3A = tpu.sem_alloc : memref<!tpu.dma_semaphore, #tpu.memory_space<semaphore_mem>>
      %dma_start3A_60 = arith.constant 0 : i32
      %dma_start3A_61 = tpu.memref_slice %arg6[%arg0, %mul3A_59, %dma_start3A_60] : memref<2x10240x64xf32, #tpu.memory_space<hbm>> -> memref<1x640x64xf32, #tpu.memory_space<hbm>>
      %dma_start3A_62 = tpu.memref_squeeze %dma_start3A_61 : memref<1x640x64xf32, #tpu.memory_space<hbm>> -> memref<640x64xf32, #tpu.memory_space<hbm>>
      %dma_start3A_63 = arith.constant 0 : i32
      %dma_start3A_64 = tpu.memref_slice %arg10[%mul3A_57, %dma_start3A_63] : memref<10240x64xf32, #tpu.memory_space<vmem_shared>> -> memref<640x64xf32, #tpu.memory_space<vmem_shared>>
      tpu.enqueue_dma source(%dma_start3A_64 : memref<640x64xf32, #tpu.memory_space<vmem_shared>>) target(%dma_start3A_62 : memref<640x64xf32, #tpu.memory_space<hbm>>) target_semaphore(%run_scoped3A : memref<!tpu.dma_semaphore, #tpu.memory_space<semaphore_mem>>)
      %dma_wait3A = arith.constant 0 : i32
      %dma_wait3A_65 = tpu.memref_slice %arg6[%arg0, %mul3A_59, %dma_wait3A] : memref<2x10240x64xf32, #tpu.memory_space<hbm>> -> memref<1x640x64xf32, #tpu.memory_space<hbm>>
      %dma_wait3A_66 = tpu.memref_squeeze %dma_wait3A_65 : memref<1x640x64xf32, #tpu.memory_space<hbm>> -> memref<640x64xf32, #tpu.memory_space<hbm>>
      %dma_wait3A_67 = arith.constant 0 : i32
      %dma_wait3A_68 = tpu.memref_slice %arg10[%mul3A_57, %dma_wait3A_67] : memref<10240x64xf32, #tpu.memory_space<vmem_shared>> -> memref<640x64xf32, #tpu.memory_space<vmem_shared>>
      tpu.wait_dma2 semaphore(%run_scoped3A : memref<!tpu.dma_semaphore, #tpu.memory_space<semaphore_mem>>) src(%dma_wait3A_68 : memref<640x64xf32, #tpu.memory_space<vmem_shared>>) dst(%dma_wait3A_66 : memref<640x64xf32, #tpu.memory_space<hbm>>)
      tpu.yield
    }) : () -> ()
    return
  }
}

module attributes {stable_mosaic.version = 14 : i64} {
  func.func @_tc1_body(%arg0: i32, %arg1: memref<2000x128xf32, #tpu.memory_space<vmem>>, %arg2: memref<128x64xf32, #tpu.memory_space<vmem>>, %arg3: memref<1x64xf32, #tpu.memory_space<vmem>>, %arg4: memref<64x64xf32, #tpu.memory_space<vmem>>, %arg5: memref<2000x1xf32, #tpu.memory_space<vmem>>, %arg6: memref<2000x1xf32, #tpu.memory_space<vmem>>, %arg7: memref<2000x64xf32, #tpu.memory_space<vmem>>) attributes {dimension_semantics = [#tpu.dimension_semantics<arbitrary>], iteration_bounds = array<i64: 5>, scalar_prefetch = 0 : i64, scratch_operands = 0 : i64, tpu.core_type = #tpu.core_type<tc>, window_params = [{transform_indices = @transform_0, window_bounds = array<i64: 2000, 128>}, {pipeline_mode = #tpu.pipeline_mode<synchronous>, transform_indices = @transform_1, window_bounds = array<i64: 128, 64>}, {pipeline_mode = #tpu.pipeline_mode<synchronous>, transform_indices = @transform_2, window_bounds = array<i64: 1, 64>}, {pipeline_mode = #tpu.pipeline_mode<synchronous>, transform_indices = @transform_3, window_bounds = array<i64: 64, 64>}, {transform_indices = @transform_4, window_bounds = array<i64: 2000, 1>}, {transform_indices = @transform_5, window_bounds = array<i64: 2000, 1>}, {transform_indices = @transform_6, window_bounds = array<i64: 2000, 64>}]} {
    %get3A = arith.constant 0 : index
    %get3A_0 = arith.constant 0 : index
    %get3A_1 = vector.load %arg1[%get3A, %get3A_0] : memref<2000x128xf32, #tpu.memory_space<vmem>>, vector<2000x128xf32>
    %get3A_2 = arith.constant 0 : index
    %get3A_3 = arith.constant 0 : index
    %get3A_4 = vector.load %arg2[%get3A_2, %get3A_3] : memref<128x64xf32, #tpu.memory_space<vmem>>, vector<128x64xf32>
    %dot_general3A = arith.constant dense<0.000000e+00> : vector<2000x64xf32>
    %dot_general3A_5 = tpu.matmul %get3A_1, %get3A_4, %dot_general3A {dimension_numbers = #tpu.dot_dimension_numbers<[1], [0], [0], [1], [0, 0, 1, 1], [], []>, transpose_lhs_hint = false} : vector<2000x128xf32>, vector<128x64xf32>, vector<2000x64xf32> -> vector<2000x64xf32>
    %get3A_6 = arith.constant 0 : index
    %get3A_7 = arith.constant 0 : index
    %get3A_8 = vector.load %arg3[%get3A_6, %get3A_7] : memref<1x64xf32, #tpu.memory_space<vmem>>, vector<1x64xf32>
    %add3A = vector.broadcast %get3A_8 : vector<1x64xf32> to vector<2000x64xf32>
    %add3A_9 = arith.addf %dot_general3A_5, %add3A : vector<2000x64xf32>
    %max3A = arith.constant 0.000000e+00 : f32
    %max3A_10 = vector.broadcast %max3A : f32 to vector<2000x64xf32>
    %max3A_11 = arith.maximumf %add3A_9, %max3A_10 : vector<2000x64xf32>
    %get3A_12 = arith.constant 0 : index
    %get3A_13 = arith.constant 0 : index
    %get3A_14 = vector.load %arg4[%get3A_12, %get3A_13] : memref<64x64xf32, #tpu.memory_space<vmem>>, vector<64x64xf32>
    %dot_general3A_15 = arith.constant dense<0.000000e+00> : vector<2000x64xf32>
    %dot_general3A_16 = tpu.matmul %max3A_11, %get3A_14, %dot_general3A_15 {dimension_numbers = #tpu.dot_dimension_numbers<[1], [0], [0], [1], [0, 0, 1, 1], [], []>, transpose_lhs_hint = false} : vector<2000x64xf32>, vector<64x64xf32>, vector<2000x64xf32> -> vector<2000x64xf32>
    %get3A_17 = arith.constant 0 : index
    %get3A_18 = arith.constant 0 : index
    %get3A_19 = vector.load %arg5[%get3A_17, %get3A_18] : memref<2000x1xf32, #tpu.memory_space<vmem>>, vector<2000x1xf32>
    %get3A_20 = arith.constant 0 : index
    %get3A_21 = arith.constant 0 : index
    %get3A_22 = vector.load %arg6[%get3A_20, %get3A_21] : memref<2000x1xf32, #tpu.memory_space<vmem>>, vector<2000x1xf32>
    %add3A_23 = arith.addf %get3A_19, %get3A_22 : vector<2000x1xf32>
    %add3A_24 = arith.constant 1.000000e+00 : f32
    %add3A_25 = vector.broadcast %add3A_24 : f32 to vector<2000x1xf32>
    %add3A_26 = arith.addf %add3A_23, %add3A_25 : vector<2000x1xf32>
    %rsqrt3A = math.rsqrt %add3A_26 : vector<2000x1xf32>
    %mul3A = vector.broadcast %rsqrt3A : vector<2000x1xf32> to vector<2000x64xf32>
    %mul3A_27 = arith.mulf %dot_general3A_16, %mul3A : vector<2000x64xf32>
    %swap3A = arith.constant 0 : index
    %swap3A_28 = arith.constant 0 : index
    %swap3A_29 = vector.load %arg7[%swap3A, %swap3A_28] : memref<2000x64xf32, #tpu.memory_space<vmem>>, vector<2000x64xf32>
    tpu.vector_store %arg7[%swap3A, %swap3A_28], %mul3A_27 {strides = array<i32>} : memref<2000x64xf32, #tpu.memory_space<vmem>>, vector<2000x64xf32>,
    return
  }
  func.func @transform_0(%arg0: i32) -> (i32, i32) {
    %c0_i32 = arith.constant 0 : i32
    %c0_i32_0 = arith.constant 0 : i32
    return %arg0, %c0_i32 : i32, i32
  }
  func.func @transform_1(%arg0: i32) -> (i32, i32) {
    %c0_i32 = arith.constant 0 : i32
    %c0_i32_0 = arith.constant 0 : i32
    %c0_i32_1 = arith.constant 0 : i32
    return %c0_i32, %c0_i32_0 : i32, i32
  }
  func.func @transform_2(%arg0: i32) -> (i32, i32) {
    %c0_i32 = arith.constant 0 : i32
    %c0_i32_0 = arith.constant 0 : i32
    %c0_i32_1 = arith.constant 0 : i32
    return %c0_i32, %c0_i32_0 : i32, i32
  }
  func.func @transform_3(%arg0: i32) -> (i32, i32) {
    %c0_i32 = arith.constant 0 : i32
    %c0_i32_0 = arith.constant 0 : i32
    %c0_i32_1 = arith.constant 0 : i32
    return %c0_i32, %c0_i32_0 : i32, i32
  }
  func.func @transform_4(%arg0: i32) -> (i32, i32) {
    %c0_i32 = arith.constant 0 : i32
    %c0_i32_0 = arith.constant 0 : i32
    return %arg0, %c0_i32 : i32, i32
  }
  func.func @transform_5(%arg0: i32) -> (i32, i32) {
    %c0_i32 = arith.constant 0 : i32
    %c0_i32_0 = arith.constant 0 : i32
    return %arg0, %c0_i32 : i32, i32
  }
  func.func @transform_6(%arg0: i32) -> (i32, i32) {
    %c0_i32 = arith.constant 0 : i32
    %c0_i32_0 = arith.constant 0 : i32
    return %arg0, %c0_i32 : i32, i32
  }
}

module attributes {stable_mosaic.version = 14 : i64} {
  func.func @_tc3_body(%arg0: i32, %arg1: memref<2x2000x64xf32, #tpu.memory_space<vmem>>, %arg2: memref<2000x64xf32, #tpu.memory_space<vmem>>, %arg3: memref<2000x1xf32, #tpu.memory_space<vmem>>, %arg4: memref<2000x1xf32, #tpu.memory_space<vmem>>, %arg5: memref<64x64xf32, #tpu.memory_space<vmem>>, %arg6: memref<1x64xf32, #tpu.memory_space<vmem>>, %arg7: memref<64x1xf32, #tpu.memory_space<vmem>>, %arg8: memref<1x1xf32, #tpu.memory_space<vmem>>, %arg9: memref<2000x1xf32, #tpu.memory_space<vmem>>) attributes {dimension_semantics = [#tpu.dimension_semantics<arbitrary>], iteration_bounds = array<i64: 5>, scalar_prefetch = 0 : i64, scratch_operands = 0 : i64, tpu.core_type = #tpu.core_type<tc>, window_params = [{transform_indices = @transform_0, window_bounds = array<i64: 2, 2000, 64>}, {transform_indices = @transform_1, window_bounds = array<i64: 2000, 64>}, {transform_indices = @transform_2, window_bounds = array<i64: 2000, 1>}, {transform_indices = @transform_3, window_bounds = array<i64: 2000, 1>}, {pipeline_mode = #tpu.pipeline_mode<synchronous>, transform_indices = @transform_4, window_bounds = array<i64: 64, 64>}, {pipeline_mode = #tpu.pipeline_mode<synchronous>, transform_indices = @transform_5, window_bounds = array<i64: 1, 64>}, {pipeline_mode = #tpu.pipeline_mode<synchronous>, transform_indices = @transform_6, window_bounds = array<i64: 64, 1>}, {pipeline_mode = #tpu.pipeline_mode<synchronous>, transform_indices = @transform_7, window_bounds = array<i64: 1, 1>}, {transform_indices = @transform_8, window_bounds = array<i64: 2000, 1>}]} {
    %get3A = arith.constant 0 : index
    %get3A_0 = arith.constant 0 : index
    %get3A_1 = vector.load %arg3[%get3A, %get3A_0] : memref<2000x1xf32, #tpu.memory_space<vmem>>, vector<2000x1xf32>
    %get3A_2 = arith.constant 0 : index
    %get3A_3 = arith.constant 0 : index
    %get3A_4 = vector.load %arg4[%get3A_2, %get3A_3] : memref<2000x1xf32, #tpu.memory_space<vmem>>, vector<2000x1xf32>
    %add3A = arith.addf %get3A_1, %get3A_4 : vector<2000x1xf32>
    %add3A_5 = arith.constant 1.000000e+00 : f32
    %add3A_6 = vector.broadcast %add3A_5 : f32 to vector<2000x1xf32>
    %add3A_7 = arith.addf %add3A, %add3A_6 : vector<2000x1xf32>
    %rsqrt3A = math.rsqrt %add3A_7 : vector<2000x1xf32>
    %get3A_8 = arith.constant 0 : index
    %get3A_9 = arith.constant 0 : index
    %get3A_10 = arith.constant 0 : index
    %get3A_11 = vector.load %arg1[%get3A_8, %get3A_9, %get3A_10] : memref<2x2000x64xf32, #tpu.memory_space<vmem>>, vector<1x2000x64xf32>
    %get3A_12 = vector.shape_cast %get3A_11 : vector<1x2000x64xf32> to vector<2000x64xf32>
    %get3A_13 = arith.constant 1 : index
    %get3A_14 = arith.constant 0 : index
    %get3A_15 = arith.constant 0 : index
    %get3A_16 = vector.load %arg1[%get3A_13, %get3A_14, %get3A_15] : memref<2x2000x64xf32, #tpu.memory_space<vmem>>, vector<1x2000x64xf32>
    %get3A_17 = vector.shape_cast %get3A_16 : vector<1x2000x64xf32> to vector<2000x64xf32>
    %add3A_18 = arith.addf %get3A_12, %get3A_17 : vector<2000x64xf32>
    %get3A_19 = arith.constant 0 : index
    %get3A_20 = arith.constant 0 : index
    %get3A_21 = vector.load %arg2[%get3A_19, %get3A_20] : memref<2000x64xf32, #tpu.memory_space<vmem>>, vector<2000x64xf32>
    %add3A_22 = arith.addf %add3A_18, %get3A_21 : vector<2000x64xf32>
    %mul3A = vector.broadcast %rsqrt3A : vector<2000x1xf32> to vector<2000x64xf32>
    %mul3A_23 = arith.mulf %add3A_22, %mul3A : vector<2000x64xf32>
    %get3A_24 = arith.constant 0 : index
    %get3A_25 = arith.constant 0 : index
    %get3A_26 = vector.load %arg5[%get3A_24, %get3A_25] : memref<64x64xf32, #tpu.memory_space<vmem>>, vector<64x64xf32>
    %dot_general3A = arith.constant dense<0.000000e+00> : vector<2000x64xf32>
    %dot_general3A_27 = tpu.matmul %mul3A_23, %get3A_26, %dot_general3A {dimension_numbers = #tpu.dot_dimension_numbers<[1], [0], [0], [1], [0, 0, 1, 1], [], []>, transpose_lhs_hint = false} : vector<2000x64xf32>, vector<64x64xf32>, vector<2000x64xf32> -> vector<2000x64xf32>
    %get3A_28 = arith.constant 0 : index
    %get3A_29 = arith.constant 0 : index
    %get3A_30 = vector.load %arg6[%get3A_28, %get3A_29] : memref<1x64xf32, #tpu.memory_space<vmem>>, vector<1x64xf32>
    %add3A_31 = vector.broadcast %get3A_30 : vector<1x64xf32> to vector<2000x64xf32>
    %add3A_32 = arith.addf %dot_general3A_27, %add3A_31 : vector<2000x64xf32>
    %max3A = arith.constant 0.000000e+00 : f32
    %max3A_33 = vector.broadcast %max3A : f32 to vector<2000x64xf32>
    %max3A_34 = arith.maximumf %add3A_32, %max3A_33 : vector<2000x64xf32>
    %get3A_35 = arith.constant 0 : index
    %get3A_36 = arith.constant 0 : index
    %get3A_37 = vector.load %arg7[%get3A_35, %get3A_36] : memref<64x1xf32, #tpu.memory_space<vmem>>, vector<64x1xf32>
    %dot_general3A_38 = arith.constant dense<0.000000e+00> : vector<2000x1xf32>
    %dot_general3A_39 = tpu.matmul %max3A_34, %get3A_37, %dot_general3A_38 {dimension_numbers = #tpu.dot_dimension_numbers<[1], [0], [0], [1], [0, 0, 1, 1], [], []>, transpose_lhs_hint = false} : vector<2000x64xf32>, vector<64x1xf32>, vector<2000x1xf32> -> vector<2000x1xf32>
    %get3A_40 = arith.constant 0 : index
    %get3A_41 = arith.constant 0 : index
    %get3A_42 = vector.load %arg8[%get3A_40, %get3A_41] : memref<1x1xf32, #tpu.memory_space<vmem>>, vector<1x1xf32>
    %add3A_43 = vector.broadcast %get3A_42 : vector<1x1xf32> to vector<2000x1xf32>
    %add3A_44 = arith.addf %dot_general3A_39, %add3A_43 : vector<2000x1xf32>
    %swap3A = arith.constant 0 : index
    %swap3A_45 = arith.constant 0 : index
    %swap3A_46 = vector.load %arg9[%swap3A, %swap3A_45] : memref<2000x1xf32, #tpu.memory_space<vmem>>, vector<2000x1xf32>
    tpu.vector_store %arg9[%swap3A, %swap3A_45], %add3A_44 {strides = array<i32>} : memref<2000x1xf32, #tpu.memory_space<vmem>>, vector<2000x1xf32>,
    return
  }
  func.func @transform_0(%arg0: i32) -> (i32, i32, i32) {
    %c0_i32 = arith.constant 0 : i32
    %c0_i32_0 = arith.constant 0 : i32
    %c0_i32_1 = arith.constant 0 : i32
    return %c0_i32, %arg0, %c0_i32_0 : i32, i32, i32
  }
  func.func @transform_1(%arg0: i32) -> (i32, i32) {
    %c0_i32 = arith.constant 0 : i32
    %c0_i32_0 = arith.constant 0 : i32
    return %arg0, %c0_i32 : i32, i32
  }
  func.func @transform_2(%arg0: i32) -> (i32, i32) {
    %c0_i32 = arith.constant 0 : i32
    %c0_i32_0 = arith.constant 0 : i32
    return %arg0, %c0_i32 : i32, i32
  }
  func.func @transform_3(%arg0: i32) -> (i32, i32) {
    %c0_i32 = arith.constant 0 : i32
    %c0_i32_0 = arith.constant 0 : i32
    return %arg0, %c0_i32 : i32, i32
  }
  func.func @transform_4(%arg0: i32) -> (i32, i32) {
    %c0_i32 = arith.constant 0 : i32
    %c0_i32_0 = arith.constant 0 : i32
    %c0_i32_1 = arith.constant 0 : i32
    return %c0_i32, %c0_i32_0 : i32, i32
  }
  func.func @transform_5(%arg0: i32) -> (i32, i32) {
    %c0_i32 = arith.constant 0 : i32
    %c0_i32_0 = arith.constant 0 : i32
    %c0_i32_1 = arith.constant 0 : i32
    return %c0_i32, %c0_i32_0 : i32, i32
  }
  func.func @transform_6(%arg0: i32) -> (i32, i32) {
    %c0_i32 = arith.constant 0 : i32
    %c0_i32_0 = arith.constant 0 : i32
    %c0_i32_1 = arith.constant 0 : i32
    return %c0_i32, %c0_i32_0 : i32, i32
  }
  func.func @transform_7(%arg0: i32) -> (i32, i32) {
    %c0_i32 = arith.constant 0 : i32
    %c0_i32_0 = arith.constant 0 : i32
    %c0_i32_1 = arith.constant 0 : i32
    return %c0_i32, %c0_i32_0 : i32, i32
  }
  func.func @transform_8(%arg0: i32) -> (i32, i32) {
    %c0_i32 = arith.constant 0 : i32
    %c0_i32_0 = arith.constant 0 : i32
    return %arg0, %c0_i32 : i32, i32
  }
}

</mosaic_0001>

<sc_bundles>
// kernel: kernel.6.cloned.1.call-start
scs
__scs_entry_jumppad:
0x0: {  	(pc) =	sbr.rel $0x88, $3  }
0x1: {  	(tag) =	ssettag $0x0;
	lr =	simm.s32 $0x1  }
0x2: {  	[smem:$0x3F98] =	sst lr;
	_ =	strace $0xD0000000  }
0x3: {  	_ = 	snop  }
0x4: {  	_ = 	snop  }
0x5: {  	_ = 	snop  }
0x6: {  	_ = 	snop  }
0x7: {  	_ = 	snop  }
__scs_overlays_trampoline_lowered:
0x8: {  	[smem:$0x3FA7] =	sst s0  }
0x9: {  	[smem:$0x3FA8] =	sst s1  }
0xa: {  	[smem:$0x3FA9] =	sst s2  }
0xb: {  	[smem:$0x3FAA] =	sst s3  }
0xc: {  	[smem:$0x3FAB] =	sst s4  }
0xd: {  	[smem:$0x3FAC] =	sst s5  }
0xe: {  	[smem:$0x3FAD] =	sst s6  }
0xf: {  	[smem:$0x3FAE] =	sst s7  }
0x10: {  	[smem:$0x3FAF] =	sst s8  }
0x11: {  	[smem:$0x3FB0] =	sst s9;
	s0 =	simm.s32 @!p0 $0x0  }
0x12: {  	s1 =	sld [smem:$0x3F96];
	s0 =	simm.s32 @p0 $0x1  }
0x13: {  	[smem:$0x3FB1] =	sst s0;
	s0 =	simm.s32 @!p1 $0x0  }
0x14: {  	s2 =	sld [smem:$0x3F95];
	s0 =	simm.s32 @p1 $0x1  }
0x15: {  	[smem:$0x3FB2] =	sst s0;
	s0 =	simm.s32 @!p2 $0x0  }
0x16: {  	s3 =	sld [smem:$0x3FDB];
	s0 =	simm.s32 @p2 $0x1  }
0x17: {  	s4 =	simm.s32 $0x1BF5;
	[smem:$0x3FB4] =	sst s0  }
0x18: {  	s0 =	sld [smem:$0x3F97];
	_ =	swait.ge [sflag:s4], $0x0  }
0x19: {  	s7 =	sld [smem:$0x3F98]  }
0x1a: {  	s8 =	sadd.s32 $0xFFFFE003, lr  }
0x1b: {  	s9 =	sadd.s32 $0xFFFFFEF7, lr;
	s5 =	simm.s32 $0xFFFFFFFF;
	p2 =	slt.u32 s8, $0xFFFFF086  }
0x1c: {  	p1 =	slt.u32 s9, $0xF7A;
	s5 =	simm.s32 @!p2 $0x0  }
0x1d: {  	s5 =	simm.s32 @p1 $0x1;
	p0 =	seq.s32 s7, s2  }
0x1e: {  	s7 =	smul.u32 @!p0 $0xF7A, s2;
	p2 =	seq.s32 @!p0 s5, $0x0  }
0x1f: {  	s9 =	smul.u32 $0xF7A, s1;
	s8 =	simm.s32 @!p0 $0x1BF5;
	p2 =	por !p2, p0  }
0x20: {  	[sflag:s8] =	ssyncset.s32 @!p0 $0xFFFFF086;
	s6 =	sadd.s32 @!p0 s3, s7;
	s7 =	simm.s32 @!p0 $0x108  }
0x21: {  	s3 =	sadd.s32 s3, s9;
	s6 =	sadd.s32 @!p0 $0x88, s6;
	s7 =	simm.s32 @p2 $0x1082  }
0x22: {  	[simem:s7], [sflag:s8] =	dma.local @!p0 [hbm:s6], $0xF7A  }
0x23: {  	s9 =	sor.u32 $0xD0000000, s2;
	s6 =	simm.s32 $0x108;
	_ =	swait.ge @!p0 [sflag:s8], $0x0  }
0x24: {  	s3 =	sadd.s32 $0x88, s3;
	s6 =	simm.s32 @!p1 $0x1082;
	[sflag:s4] =	ssyncset.s32 $0xFFFFF086  }
0x25: {  	[simem:s6], [sflag:s4] =	dma.local [hbm:s3], $0xF7A  }
0x26: {  	[smem:$0x3F98] =	sst s1;
	(tag) =	ssettag s2;
	_ =	strace s9  }
0x27: {  	s1 =	sld [smem:$0x3FA8]  }
0x28: {  	s2 =	sld [smem:$0x3FA9]  }
0x29: {  	s4 =	sld [smem:$0x3FAB]  }
0x2a: {  	p0 =	seq.s32 s5, $0x0;
	s5 =	sld [smem:$0x3FAC]  }
0x2b: {  	s6 =	sld [smem:$0x3FAD]  }
0x2c: {  	s7 =	sld [smem:$0x3FAE]  }
0x2d: {  	s3 =	simm.s32 $0x108;
	s8 =	sld [smem:$0x3FAF]  }
0x2e: {  	s3 =	simm.s32 @!p0 $0x1082;
	s9 =	sld [smem:$0x3FB0]  }
0x2f: {  	lr =	sadd.s32 s0, s3;
	s0 =	sld [smem:$0x3FA7]  }
0x30: {  	s3 =	sld [smem:$0x3FAA]  }
0x31: {  	[smem:$0x3FB3] =	sst s10  }
0x32: {  	s10 =	sld [smem:$0x3FB1];
	_ =	sdelay $0x3  }
0x33: {  	p0 =	seq.s32 s10, $0x1;
	s10 =	sld [smem:$0x3FB3];
	_ =	sdelay $0x3  }
0x34: {  	[smem:$0x3FB3] =	sst s10  }
0x35: {  	s10 =	sld [smem:$0x3FB2];
	_ =	sdelay $0x3  }
0x36: {  	p1 =	seq.s32 s10, $0x1;
	s10 =	sld [smem:$0x3FB3];
	_ =	sdelay $0x3  }
0x37: {  	[smem:$0x3FB3] =	sst s10  }
0x38: {  	s10 =	sld [smem:$0x3FB4]  }
0x39: {  	_ = 	snop;
	(pc) =	sbr.ind lr, $3  }
0x3a: {  	_ = 	snop  }
0x3b: {  	_ = 	snop  }
0x3c: {  	p2 =	seq.s32 s10, $0x1;
	s10 =	sld [smem:$0x3FB3]  }
0x3d: {  	_ =	shalt  }
0x3e: {  	_ =	shalt  }
0x3f: {  	_ =	shalt  }
0x40: {  	_ =	shalt  }
0x41: {  	_ =	shalt  }
0x42: {  	_ =	shalt  }
0x43: {  	_ =	shalt  }
0x44: {  	_ =	shalt  }
0x45: {  	_ =	shalt  }
0x46: {  	_ =	shalt  }
0x47: {  	_ =	shalt  }
0x48: {  	_ =	shalt  }
0x49: {  	_ =	shalt  }
0x4a: {  	_ =	shalt  }
0x4b: {  	_ =	shalt  }
0x4c: {  	_ =	shalt  }
0x4d: {  	_ =	shalt  }
0x4e: {  	_ =	shalt  }
0x4f: {  	_ =	shalt  }
0x50: {  	_ =	shalt  }
0x51: {  	_ =	shalt  }
0x52: {  	_ =	shalt  }
0x53: {  	_ =	shalt  }
0x54: {  	_ =	shalt  }
0x55: {  	_ =	shalt  }
0x56: {  	_ =	shalt  }
0x57: {  	_ =	shalt  }
0x58: {  	_ =	shalt  }
0x59: {  	_ =	shalt  }
0x5a: {  	_ =	shalt  }
0x5b: {  	_ =	shalt  }
0x5c: {  	_ =	shalt  }
0x5d: {  	_ =	shalt  }
0x5e: {  	_ =	shalt  }
0x5f: {  	_ =	shalt  }
0x60: {  	_ =	shalt  }
0x61: {  	_ =	shalt  }
0x62: {  	_ =	shalt  }
0x63: {  	_ =	shalt  }
0x64: {  	_ =	shalt  }
0x65: {  	_ =	shalt  }
0x66: {  	_ =	shalt  }
0x67: {  	_ =	shalt  }
0x68: {  	_ =	shalt  }
0x69: {  	_ =	shalt  }
0x6a: {  	_ =	shalt  }
0x6b: {  	_ =	shalt  }
0x6c: {  	_ =	shalt  }
0x6d: {  	_ =	shalt  }
0x6e: {  	_ =	shalt  }
0x6f: {  	_ =	shalt  }
0x70: {  	_ =	shalt  }
0x71: {  	_ =	shalt  }
0x72: {  	_ =	shalt  }
0x73: {  	_ =	shalt  }
0x74: {  	_ =	shalt  }
0x75: {  	_ =	shalt  }
0x76: {  	_ =	shalt  }
0x77: {  	_ =	shalt  }
0x78: {  	_ =	shalt  }
0x79: {  	_ =	shalt  }
0x7a: {  	_ =	shalt  }
0x7b: {  	_ =	shalt  }
0x7c: {  	_ =	shalt  }
0x7d: {  	_ =	shalt  }
0x7e: {  	_ =	shalt  }
0x7f: {  	_ =	shalt  }
0x80: {  	_ =	shalt  }
0x81: {  	_ =	shalt  }
0x82: {  	_ =	shalt  }
0x83: {  	_ =	shalt  }
0x84: {  	_ =	shalt  }
0x85: {  	_ =	shalt  }
0x86: {  	_ =	shalt  }
0x87: {  	_ =	shalt  }
.Lfunc_end0:
.L_simem_size_0:
called_computation_lowered:
.L_overlay_start_0:
0x88: {  	s2 =	sld [smem:$0x3FD9]  }
0x89: {  	s3 =	sld [smem:$0x3FFE];
	_ =	sdelay $0x1  }
0x8a: {  	s1 =	srdreg.scid  }
0x8b: {  	s0 =	sand.u32 $0x1, s1  }
0x8c: {  	s17 =	sshll.u32 s0, $0xA;
	s2 =	sadd.s32 s3, s2  }
0x8d: {  	s2 =	sadd.s32 s2, s17  }
0x8e: {  	[smem:$0x3FBF] =	sst s2  }
0x8f: {  	_ = 	snop  }
0x90: {  	s2 =	sld [smem:$0x3FD0];
	(tm) =	ssettm $0x1  }
0x91: {  	s18 =	sld [smem:$0x3FFB];
	_ =	sdelay $0x3  }
0x92: {  	_ =	strace s18  }
0x93: {  	s3 =	sld [smem:$0x3FFC];
	_ =	sdelay $0x3  }
0x94: {  	_ =	strace s3  }
0x95: {  	s3 =	sld [smem:$0x3FFD];
	_ =	sdelay $0x3  }
0x96: {  	_ =	strace s3  }
0x97: {  	_ =	strace $0x8FFFFFFF  }
0x98: {  	s19 =	sld [smem:$0x3FDB];
	_ =	sdelay $0x1  }
0x99: {  	s4 =	simm.s32 $_scs_section_size  }
0x9a: {  	s5 =	simm.s32 $_size__tile_overlayer_lowered;
	s6 =	simm.s32 $_tile_overlayer_lowered  }
0x9b: {  	s22 =	simm.s32 $0x1BFF;
	s21 =	sshll.u32 s6, $0x1;
	s3 =	sadd.s32 s4, s19  }
0x9c: {  	s7 =	simm.s32 $0x0;
	s20 =	sshll.u32 s5, $0x1;
	s5 =	sadd.s32 s21, s3  }
0x9d: {  	[timem:s7], [sflag:s22] =	dma.local [hbm:s5], s20  }
0x9e: {  	_ =	swait.ge [sflag:s22], s20  }
0x9f: {  	s4 =	ssub.s32 $0x0, s20;
	[sflag:s22] =	ssyncset.done $0x0  }
0xa0: {  	[sflag:s22] =	ssyncadd.s32 s4;
	_ =	sdelay $0x1  }
0xa1: {  	s23 =	simm.s32 $0x1B8B  }
0xa2: {  	_ =	swait.ge [sflag:s23], $0x1  }
0xa3: {  	[sflag:s23] =	ssyncset.done $0x0  }
0xa4: {  	s25 =	simm.s32 $0x1B8E;
	s24 =	sld [smem:$0x3FFE];
	[sflag:s23] =	ssyncadd.s32 $0xFFFFFFFF  }
0xa5: {  	s26 =	simm.s32 $execute0_lowered;
	[smem:$0x3FD2] =	sst s25  }
0xa6: {  	s5 =	sshll.u32 s26, $0x1;
	_ =	strace $0x80000046;
	[dreg:$0x1] =	wrdreg $0xFFFFFFFF  }
0xa7: {  	s28 =	simm.s32 $_size_execute0_lowered;
	s3 =	sadd.s32 s3, s5;
	[dreg:$0x0] =	wrdreg $0x0  }
0xa8: {  	s5 =	sshll.u32 s28, $0x1;
	[dreg:$0x2] =	wrdreg s3  }
0xa9: {  	[dreg:$0x3] =	wrdreg s5  }
0xaa: {  	[dreg:$0x4] =	wrdreg $0xC0  }
0xab: {  	_ =	task [dreg:s7], $0x5FFFF  }
0xac: {  	[dreg:$0x1] =	wrdreg $0xFFFFFFFF  }
0xad: {  	[dreg:$0x0] =	wrdreg $0x60  }
0xae: {  	[dreg:$0x2] =	wrdreg s24  }
0xaf: {  	[dreg:$0x3] =	wrdreg s2  }
0xb0: {  	[dreg:$0x4] =	wrdreg $0x28800  }
0xb1: {  	[dreg:$0x5] =	wrdreg $0x9  }
0xb2: {  	_ =	task.clear_ibuf [dreg:s7], $0x6FFFF;
	_ =	strace $0x90000046  }
0xb3: {  	s29 =	simm.s32 $0x9;
	_ =	strace $0x80000048  }
0xb4: {  	_ =	swait.ge [sflag:s29], $0x1  }
0xb5: {  	[sflag:s29] =	ssyncadd.s32 $0xFFFFFFFF  }
0xb6: {  	_ =	strace $0x90000048  }
0xb7: {  	_ =	sfence  }
0xb8: {  	s30 =	sld [smem:$0x0];
	_ =	sdelay $0x2  }
0xb9: {  	s31 =	sshll.u32 s1, $0xD;
	s1 =	sshrl.u32 s1, $0x2  }
0xba: {  	s3 =	sand.u32 $0x4000, s31;
	s1 =	sadd.s32 s1, s30  }
0xbb: {  	s0 =	sor.u32 s3, s0;
	s1 =	sshll.u32 s1, $0x11  }
0xbc: {  	s0 =	sor.u32 s1, s0  }
0xbd: {  	s0 =	sadd.s32 $0x8F2B, s0  }
0xbe: {  	[sflag:s0] =	ssyncadd.remote.s32 $0x1  }
0xbf: {  	_ =	sfence.sel $0xFFFF  }
0xc0: {  	[dreg:$0x0] =	wrdreg $0xFFFFFFFF;
	(pc) =	sbr.abs _section_cstart, $3  }
0xc1: {  	[dreg:$0x1] =	wrdreg $0xFFFFFFFF  }
0xc2: {  	_ =	task.clear_ibuf [dreg:s7], $0x2FFFF;
	_ =	strace $0x9FFFFFFF  }
0xc3: {  	(tm) =	ssettm $0x7FFFFFFF  }
tec
execute0_lowered:
.L_overlay_start_1:
0x0: {  	(tag) =	ssettag $0x1  }
0x1: {  	s6 =	rddreg [dreg:$0x0]  }
0x2: {  	s2 =	rddreg [dreg:$0x1];
	s0 =	srdreg.scid  }
0x3: {  	s3 =	rddreg [dreg:$0x2];
	s1 =	stileid.u32  }
0x4: {  	s4 =	simm.s32 $0x0;
	s13 =	simm.s32 $0x80;
	s14 =	simm.s32 $0x1  }
0x5: {  	s15 =	simm.s32 $0x0;
	s5 =	sand.u32 $0x1, s0;
	s0 =	rddreg [dreg:$0x3]  }
0x6: {  	s8 =	smul.u32 $0x280, s1;
	[smem:$0x7FF] =	sst s4;
	s31 =	sshll.u32 s1, $0x6  }
0x7: {  	s7 =	sshll.u32 s5, $0x4;
	s9 =	smul.u32 $0x2800, s5;
	_ =	strace $0x80000047  }
0x8: {  	s10 =	ssub.s32 $0x2, s5;
	s5 =	sadd.s32 $0xB800, s6;
	s7 =	sor.u32 s1, s7  }
0x9: {  	s11 =	sshrl.u32 s10, $0x1;
	s12 =	sadd.s32 s8, s3;
	s7 =	smul.u32 $0x500, s7  }
0xa: {  	s9 =	sadd.s32 s8, s9;
	s10 =	ssub.s32 s10, s11;
	s11 =	sor.u32 $0x1C02, s31  }
0xb: {  	s12 =	sshrl.u32 s12, $0x3;
	s9 =	sshrl.u32 s9, $0x3;
	s8 =	smax.u32 s10, $0x1  }
0xc: {  	s10 =	simm.s32 $0x2800;
	s7 =	sadd.s32 s7, s6;
	s9 =	sadd.s32 s9, s6  }
0xd: {  	s6 =	sadd.s32 $0x1800, s7;
	s7 =	sadd.s32 $0xBA00, s9;
	s9 =	simm.s32 $0x2  }
.LBB2_1:
0xe: {  	[tilespmem:s4], [sflag:$0x2] =	stream.linear.gather [hbm4b:s6+s4], $0x2800, $0x38;
	[tilespmem:$0x2B00] =	vst v63  }
0xf: {  	_ =	swait.ge [sflag:s9], $0x2800  }
0x10: {  	[sflag:s9] =	ssyncset.done $0x0  }
0x11: {  	[sflag:s9] =	ssyncadd.s32 $0xFFFFD800  }
0x12: {  	[tilespmem:s10], [sflag:$0x2] =	stream.linear.gather [hbm4b:s5+s4], $0x80, $0x38;
	[tilespmem:$0x2B00] =	vst v63  }
0x13: {  	_ =	swait.ge [sflag:s9], $0x80  }
0x14: {  	[sflag:s9] =	ssyncset.done $0x0  }
0x15: {  	[sflag:s9] =	ssyncadd.s32 $0xFFFFFF80  }
0x16: {  	[spmem:s12], [sflag:s11] =	dma.local [hbm:s2], $0x50  }
0x17: {  	_ =	swait.ge [sflag:s9], $0x50  }
0x18: {  	[sflag:s9] =	ssyncset.done $0x0  }
0x19: {  	[sflag:s9] =	ssyncadd.s32 $0xFFFFFFB0  }
0x1a: {  	s16 =	simm.s32 $0x0;
	[bflag:$0x0] =	sbarrier.arrive $0xFFFF  }
.LBB2_2:
0x1b: {  	p0 =	sne.s32 s16, $0x9E00  }
.Ltmp0:
0x1c: {  	_ = 	snop;
	(pc) =	sbr.rel @p0 .LBB2_2-.Ltmp0, $3  }
0x1d: {  	_ =	sdelay $0x1  }
0x1e: {  	s17 =	sshra.s32 s16, $0x2;
	s16 =	sadd.s32 $0x200, s16  }
0x1f: {  	[spmem:s3] =	stream.indirect.scatter.add.f32 [tilespmem:s10], [sflag:$0x1], $0x1, s17, s13, $0xb8;
	[tilespmem:$0x2B00] =	vst v63  }
0x20: {  	_ =	swait.ge [sflag:s14], $0x80  }
0x21: {  	s16 =	simm.s32 $0x4F;
	[sflag:s14] =	ssyncset.done $0x0  }
.LBB2_4:
0x22: {  	p0 =	sne.s32 s16, $0x1;
	s16 =	sadd.s32 $0xFFFFFFFF, s16;
	[sflag:s14] =	ssyncadd.s32 $0xFFFFFF80  }
.Ltmp1:
0x23: {  	(pc) =	sbr.rel @p0 .LBB2_4-.Ltmp1, $3  }
0x24: {  	_ =	sdelay $0x1  }
0x25: {  	_ =	swait.ge [sflag:s14], $0x80  }
0x26: {  	[sflag:s14] =	ssyncset.done $0x0  }
0x27: {  	s15 =	sadd.s32 $0x1, s15  }
0x28: {  	[sflag:s14] =	ssyncadd.s32 $0xFFFFFF80;
	p0 =	sne.s32 s15, s8  }
.Ltmp2:
0x29: {  	[bflag:$0x0] =	sbarrier.arrive $0xFFFF;
	(pc) =	sbr.rel @p0 .LBB2_1-.Ltmp2, $4  }
0x2a: {  	[hbm:s7], [sflag:s11] =	dma.local [spmem:s12], $0x50  }
0x2b: {  	_ =	swait.ge [sflag:s9], $0x50  }
0x2c: {  	[sflag:s9] =	ssyncset.done $0x0  }
0x2d: {  	[sflag:s9] =	ssyncadd.s32 $0xFFFFFFB0  }
0x2e: {  	_ =	sfence.sel $0x180000  }
0x2f: {  	[bflag:$0x0] =	sbarrier.arrive $0xFFFF  }
0x30: {  	p0 =	sne.s32 s1, $0x0;
	_ =	strace $0x90000047  }
0x31: {  	s0 =	sadd.s32 @!p0 $0x100000, s0;
	[bflag:$0x2] =	sbarrier.arrive $0xFFFF  }
0x32: {  	[sflag:s0] =	ssyncadd.tile.s32 @!p0 $0x1;
	_ =	shalt  }
.Lfunc_end2:
_tile_overlayer_lowered:
.L_overlay_start_2:
0x33: {  	(tag) =	ssettag $0x2  }
0x34: {  	s0 =	rddreg [dreg:$0x0];
	s2 =	stileid.u32  }
0x35: {  	s1 =	rddreg [dreg:$0x1];
	p0 =	sne.s32 s2, $0x0  }
0x36: {  	s3 =	rddreg [dreg:$0x2];
	[bflag:$0x3] =	sbarrier.arrive $0xFFFF;
	s2 =	simm.s32 @!p0 $0x1C02  }
0x37: {  	[timem:s3], [sflag:s2] =	dma.local @!p0 [hbm:s0], s1  }
0x38: {  	s0 =	simm.s32 @!p0 $0x2  }
0x39: {  	_ =	swait.ge @!p0 [sflag:s0], s1  }
0x3a: {  	s1 =	ssub.s32 @!p0 $0x0, s1;
	[sflag:s0] =	ssyncset.done @!p0 $0x0  }
0x3b: {  	[sflag:s0] =	ssyncadd.s32 @!p0 s1  }
0x3c: {  	[bflag:$0x3] =	sbarrier.arrive $0xFFFF  }
0x3d: {  	_ =	shalt  }

// kernel: kernel.9.cloned.1.call-start
scs
__scs_entry_jumppad:
0x0: {  	(pc) =	sbr.rel $0x88, $3  }
0x1: {  	(tag) =	ssettag $0x0;
	lr =	simm.s32 $0x1  }
0x2: {  	[smem:$0x3F98] =	sst lr;
	_ =	strace $0xD0000000  }
0x3: {  	_ = 	snop  }
0x4: {  	_ = 	snop  }
0x5: {  	_ = 	snop  }
0x6: {  	_ = 	snop  }
0x7: {  	_ = 	snop  }
__scs_overlays_trampoline_lowered:
0x8: {  	[smem:$0x3FA7] =	sst s0  }
0x9: {  	[smem:$0x3FA8] =	sst s1  }
0xa: {  	[smem:$0x3FA9] =	sst s2  }
0xb: {  	[smem:$0x3FAA] =	sst s3  }
0xc: {  	[smem:$0x3FAB] =	sst s4  }
0xd: {  	[smem:$0x3FAC] =	sst s5  }
0xe: {  	[smem:$0x3FAD] =	sst s6  }
0xf: {  	[smem:$0x3FAE] =	sst s7  }
0x10: {  	[smem:$0x3FAF] =	sst s8  }
0x11: {  	[smem:$0x3FB0] =	sst s9;
	s0 =	simm.s32 @!p0 $0x0  }
0x12: {  	s1 =	sld [smem:$0x3F96];
	s0 =	simm.s32 @p0 $0x1  }
0x13: {  	[smem:$0x3FB1] =	sst s0;
	s0 =	simm.s32 @!p1 $0x0  }
0x14: {  	s2 =	sld [smem:$0x3F95];
	s0 =	simm.s32 @p1 $0x1  }
0x15: {  	[smem:$0x3FB2] =	sst s0;
	s0 =	simm.s32 @!p2 $0x0  }
0x16: {  	s3 =	sld [smem:$0x3FDB];
	s0 =	simm.s32 @p2 $0x1  }
0x17: {  	s4 =	simm.s32 $0x1BF5;
	[smem:$0x3FB4] =	sst s0  }
0x18: {  	s0 =	sld [smem:$0x3F97];
	_ =	swait.ge [sflag:s4], $0x0  }
0x19: {  	s7 =	sld [smem:$0x3F98]  }
0x1a: {  	s8 =	sadd.s32 $0xFFFFE003, lr  }
0x1b: {  	s9 =	sadd.s32 $0xFFFFFEF7, lr;
	s5 =	simm.s32 $0xFFFFFFFF;
	p2 =	slt.u32 s8, $0xFFFFF086  }
0x1c: {  	p1 =	slt.u32 s9, $0xF7A;
	s5 =	simm.s32 @!p2 $0x0  }
0x1d: {  	s5 =	simm.s32 @p1 $0x1;
	p0 =	seq.s32 s7, s2  }
0x1e: {  	s7 =	smul.u32 @!p0 $0xF7A, s2;
	p2 =	seq.s32 @!p0 s5, $0x0  }
0x1f: {  	s9 =	smul.u32 $0xF7A, s1;
	s8 =	simm.s32 @!p0 $0x1BF5;
	p2 =	por !p2, p0  }
0x20: {  	[sflag:s8] =	ssyncset.s32 @!p0 $0xFFFFF086;
	s6 =	sadd.s32 @!p0 s3, s7;
	s7 =	simm.s32 @!p0 $0x108  }
0x21: {  	s3 =	sadd.s32 s3, s9;
	s6 =	sadd.s32 @!p0 $0x88, s6;
	s7 =	simm.s32 @p2 $0x1082  }
0x22: {  	[simem:s7], [sflag:s8] =	dma.local @!p0 [hbm:s6], $0xF7A  }
0x23: {  	s9 =	sor.u32 $0xD0000000, s2;
	s6 =	simm.s32 $0x108;
	_ =	swait.ge @!p0 [sflag:s8], $0x0  }
0x24: {  	s3 =	sadd.s32 $0x88, s3;
	s6 =	simm.s32 @!p1 $0x1082;
	[sflag:s4] =	ssyncset.s32 $0xFFFFF086  }
0x25: {  	[simem:s6], [sflag:s4] =	dma.local [hbm:s3], $0xF7A  }
0x26: {  	[smem:$0x3F98] =	sst s1;
	(tag) =	ssettag s2;
	_ =	strace s9  }
0x27: {  	s1 =	sld [smem:$0x3FA8]  }
0x28: {  	s2 =	sld [smem:$0x3FA9]  }
0x29: {  	s4 =	sld [smem:$0x3FAB]  }
0x2a: {  	p0 =	seq.s32 s5, $0x0;
	s5 =	sld [smem:$0x3FAC]  }
0x2b: {  	s6 =	sld [smem:$0x3FAD]  }
0x2c: {  	s7 =	sld [smem:$0x3FAE]  }
0x2d: {  	s3 =	simm.s32 $0x108;
	s8 =	sld [smem:$0x3FAF]  }
0x2e: {  	s3 =	simm.s32 @!p0 $0x1082;
	s9 =	sld [smem:$0x3FB0]  }
0x2f: {  	lr =	sadd.s32 s0, s3;
	s0 =	sld [smem:$0x3FA7]  }
0x30: {  	s3 =	sld [smem:$0x3FAA]  }
0x31: {  	[smem:$0x3FB3] =	sst s10  }
0x32: {  	s10 =	sld [smem:$0x3FB1];
	_ =	sdelay $0x3  }
0x33: {  	p0 =	seq.s32 s10, $0x1;
	s10 =	sld [smem:$0x3FB3];
	_ =	sdelay $0x3  }
0x34: {  	[smem:$0x3FB3] =	sst s10  }
0x35: {  	s10 =	sld [smem:$0x3FB2];
	_ =	sdelay $0x3  }
0x36: {  	p1 =	seq.s32 s10, $0x1;
	s10 =	sld [smem:$0x3FB3];
	_ =	sdelay $0x3  }
0x37: {  	[smem:$0x3FB3] =	sst s10  }
0x38: {  	s10 =	sld [smem:$0x3FB4]  }
0x39: {  	_ = 	snop;
	(pc) =	sbr.ind lr, $3  }
0x3a: {  	_ = 	snop  }
0x3b: {  	_ = 	snop  }
0x3c: {  	p2 =	seq.s32 s10, $0x1;
	s10 =	sld [smem:$0x3FB3]  }
0x3d: {  	_ =	shalt  }
0x3e: {  	_ =	shalt  }
0x3f: {  	_ =	shalt  }
0x40: {  	_ =	shalt  }
0x41: {  	_ =	shalt  }
0x42: {  	_ =	shalt  }
0x43: {  	_ =	shalt  }
0x44: {  	_ =	shalt  }
0x45: {  	_ =	shalt  }
0x46: {  	_ =	shalt  }
0x47: {  	_ =	shalt  }
0x48: {  	_ =	shalt  }
0x49: {  	_ =	shalt  }
0x4a: {  	_ =	shalt  }
0x4b: {  	_ =	shalt  }
0x4c: {  	_ =	shalt  }
0x4d: {  	_ =	shalt  }
0x4e: {  	_ =	shalt  }
0x4f: {  	_ =	shalt  }
0x50: {  	_ =	shalt  }
0x51: {  	_ =	shalt  }
0x52: {  	_ =	shalt  }
0x53: {  	_ =	shalt  }
0x54: {  	_ =	shalt  }
0x55: {  	_ =	shalt  }
0x56: {  	_ =	shalt  }
0x57: {  	_ =	shalt  }
0x58: {  	_ =	shalt  }
0x59: {  	_ =	shalt  }
0x5a: {  	_ =	shalt  }
0x5b: {  	_ =	shalt  }
0x5c: {  	_ =	shalt  }
0x5d: {  	_ =	shalt  }
0x5e: {  	_ =	shalt  }
0x5f: {  	_ =	shalt  }
0x60: {  	_ =	shalt  }
0x61: {  	_ =	shalt  }
0x62: {  	_ =	shalt  }
0x63: {  	_ =	shalt  }
0x64: {  	_ =	shalt  }
0x65: {  	_ =	shalt  }
0x66: {  	_ =	shalt  }
0x67: {  	_ =	shalt  }
0x68: {  	_ =	shalt  }
0x69: {  	_ =	shalt  }
0x6a: {  	_ =	shalt  }
0x6b: {  	_ =	shalt  }
0x6c: {  	_ =	shalt  }
0x6d: {  	_ =	shalt  }
0x6e: {  	_ =	shalt  }
0x6f: {  	_ =	shalt  }
0x70: {  	_ =	shalt  }
0x71: {  	_ =	shalt  }
0x72: {  	_ =	shalt  }
0x73: {  	_ =	shalt  }
0x74: {  	_ =	shalt  }
0x75: {  	_ =	shalt  }
0x76: {  	_ =	shalt  }
0x77: {  	_ =	shalt  }
0x78: {  	_ =	shalt  }
0x79: {  	_ =	shalt  }
0x7a: {  	_ =	shalt  }
0x7b: {  	_ =	shalt  }
0x7c: {  	_ =	shalt  }
0x7d: {  	_ =	shalt  }
0x7e: {  	_ =	shalt  }
0x7f: {  	_ =	shalt  }
0x80: {  	_ =	shalt  }
0x81: {  	_ =	shalt  }
0x82: {  	_ =	shalt  }
0x83: {  	_ =	shalt  }
0x84: {  	_ =	shalt  }
0x85: {  	_ =	shalt  }
0x86: {  	_ =	shalt  }
0x87: {  	_ =	shalt  }
.Lfunc_end0:
.L_simem_size_0:
called_computation.1_lowered:
.L_overlay_start_0:
0x88: {  	s2 =	sld [smem:$0x3FD9]  }
0x89: {  	s3 =	sld [smem:$0x3FFE];
	_ =	sdelay $0x1  }
0x8a: {  	s1 =	srdreg.scid  }
0x8b: {  	s0 =	sand.u32 $0x1, s1  }
0x8c: {  	s16 =	sshll.u32 s0, $0xA;
	s2 =	sadd.s32 s3, s2  }
0x8d: {  	s2 =	sadd.s32 s2, s16  }
0x8e: {  	[smem:$0x3FBF] =	sst s2  }
0x8f: {  	_ = 	snop  }
0x90: {  	(tm) =	ssettm $0x1  }
0x91: {  	s17 =	sld [smem:$0x3FFB];
	_ =	sdelay $0x3  }
0x92: {  	_ =	strace s17  }
0x93: {  	s2 =	sld [smem:$0x3FFC];
	_ =	sdelay $0x3  }
0x94: {  	_ =	strace s2  }
0x95: {  	s2 =	sld [smem:$0x3FFD];
	_ =	sdelay $0x3  }
0x96: {  	_ =	strace s2  }
0x97: {  	_ =	strace $0x8FFFFFFF  }
0x98: {  	s18 =	sld [smem:$0x3FDB];
	_ =	sdelay $0x1  }
0x99: {  	s19 =	simm.s32 $_scs_section_size  }
0x9a: {  	s4 =	simm.s32 $_size__tile_overlayer_lowered;
	s5 =	simm.s32 $_tile_overlayer_lowered  }
0x9b: {  	s22 =	simm.s32 $0x1BFF;
	s21 =	sshll.u32 s5, $0x1;
	s2 =	sadd.s32 s19, s18  }
0x9c: {  	s6 =	simm.s32 $0x0;
	s20 =	sshll.u32 s4, $0x1;
	s4 =	sadd.s32 s21, s2  }
0x9d: {  	[timem:s6], [sflag:s22] =	dma.local [hbm:s4], s20  }
0x9e: {  	_ =	swait.ge [sflag:s22], s20  }
0x9f: {  	s3 =	ssub.s32 $0x0, s20;
	[sflag:s22] =	ssyncset.done $0x0  }
0xa0: {  	[sflag:s22] =	ssyncadd.s32 s3;
	_ =	sdelay $0x1  }
0xa1: {  	s23 =	simm.s32 $0x1B8B  }
0xa2: {  	_ =	swait.ge [sflag:s23], $0x1  }
0xa3: {  	[sflag:s23] =	ssyncset.done $0x0  }
0xa4: {  	s25 =	simm.s32 $0x1B8E;
	s24 =	sld [smem:$0x3FFE];
	[sflag:s23] =	ssyncadd.s32 $0xFFFFFFFF  }
0xa5: {  	s26 =	simm.s32 $execute0_lowered;
	[smem:$0x3FD2] =	sst s25  }
0xa6: {  	s4 =	sshll.u32 s26, $0x1;
	_ =	strace $0x80000049;
	[dreg:$0x1] =	wrdreg $0xFFFFFFFF  }
0xa7: {  	s28 =	simm.s32 $_size_execute0_lowered;
	s2 =	sadd.s32 s2, s4;
	[dreg:$0x0] =	wrdreg $0x0  }
0xa8: {  	s4 =	sshll.u32 s28, $0x1;
	[dreg:$0x2] =	wrdreg s2  }
0xa9: {  	[dreg:$0x3] =	wrdreg s4  }
0xaa: {  	[dreg:$0x4] =	wrdreg $0xC0  }
0xab: {  	_ =	task [dreg:s6], $0x5FFFF  }
0xac: {  	[dreg:$0x1] =	wrdreg $0xFFFFFFFF  }
0xad: {  	[dreg:$0x0] =	wrdreg $0x60  }
0xae: {  	[dreg:$0x2] =	wrdreg s24  }
0xaf: {  	[dreg:$0x3] =	wrdreg $0xD0000  }
0xb0: {  	[dreg:$0x4] =	wrdreg $0x9  }
0xb1: {  	_ =	task.clear_ibuf [dreg:s6], $0x5FFFF;
	_ =	strace $0x90000049  }
0xb2: {  	s29 =	simm.s32 $0x9;
	_ =	strace $0x8000004B  }
0xb3: {  	_ =	swait.ge [sflag:s29], $0x1  }
0xb4: {  	[sflag:s29] =	ssyncadd.s32 $0xFFFFFFFF  }
0xb5: {  	_ =	strace $0x9000004B  }
0xb6: {  	_ =	sfence  }
0xb7: {  	s30 =	sld [smem:$0x0];
	_ =	sdelay $0x2  }
0xb8: {  	s31 =	sshll.u32 s1, $0xD;
	s1 =	sshrl.u32 s1, $0x2  }
0xb9: {  	s3 =	sand.u32 $0x4000, s31;
	s1 =	sadd.s32 s1, s30  }
0xba: {  	s0 =	sor.u32 s3, s0;
	s1 =	sshll.u32 s1, $0x11  }
0xbb: {  	s0 =	sor.u32 s1, s0  }
0xbc: {  	s0 =	sadd.s32 $0x8F2B, s0  }
0xbd: {  	[sflag:s0] =	ssyncadd.remote.s32 $0x1  }
0xbe: {  	_ =	sfence.sel $0xFFFF  }
0xbf: {  	[dreg:$0x0] =	wrdreg $0xFFFFFFFF;
	(pc) =	sbr.abs _section_cstart, $3  }
0xc0: {  	[dreg:$0x1] =	wrdreg $0xFFFFFFFF  }
0xc1: {  	_ =	task.clear_ibuf [dreg:s6], $0x2FFFF;
	_ =	strace $0x9FFFFFFF  }
0xc2: {  	(tm) =	ssettm $0x7FFFFFFF  }
0xc3: {  	_ =	shalt  }
tec
execute0_lowered:
.L_overlay_start_1:
0x0: {  	(tag) =	ssettag $0x1  }
0x1: {  	s0 =	srdreg.scid  }
0x2: {  	s25 =	stileid.u32;
	s6 =	rddreg [dreg:$0x0]  }
0x3: {  	s3 =	simm.s32 $0x0;
	s10 =	simm.s32 $0x5;
	s11 =	simm.s32 $0x2800  }
0x4: {  	s14 =	simm.s32 $0x80;
	s15 =	simm.s32 $0x5000;
	s16 =	simm.s32 $0x7000  }
0x5: {  	s17 =	simm.s32 $0x100;
	s18 =	simm.s32 $0x9000;
	s19 =	simm.s32 $0x180  }
0x6: {  	s20 =	simm.s32 $0xB000;
	s21 =	simm.s32 $0x1;
	s22 =	simm.s32 $0x2  }
0x7: {  	s23 =	simm.s32 $0x3;
	s24 =	simm.s32 $0x4;
	s28 =	simm.s32 $0x4F00  }
0x8: {  	s29 =	simm.s32 $0x4F80;
	s30 =	simm.s32 $0x0;
	s1 =	sand.u32 $0x1, s0  }
0x9: {  	s8 =	smul.u32 $0xA000, s25;
	[smem:$0x7FF] =	sst s3;
	s31 =	sshll.u32 s25, $0x6  }
0xa: {  	s2 =	sshll.u32 s1, $0x4;
	s5 =	smul.u32 $0xA0000, s1;
	s1 =	ssub.s32 $0x2, s1  }
0xb: {  	s12 =	sor.u32 $0x1C05, s31;
	s2 =	sor.u32 s25, s2;
	s26 =	sshrl.u32 s1, $0x1  }
0xc: {  	s25 =	simm.s32 $0x4E00;
	s4 =	smul.u32 $0x500, s2;
	s2 =	rddreg [dreg:$0x1]  }
0xd: {  	_ =	strace $0x8000004A;
	s5 =	sadd.s32 s8, s5;
	s1 =	ssub.s32 s1, s26  }
0xe: {  	s26 =	simm.s32 $0x4E80;
	s9 =	sshrl.u32 s5, $0x3;
	s5 =	sadd.s32 $0x1800, s6  }
0xf: {  	s13 =	sadd.s32 s8, s2;
	s7 =	sadd.s32 s4, s6;
	s4 =	sadd.s32 $0x20400, s6  }
0x10: {  	s9 =	sadd.s32 s9, s6;
	s13 =	sshrl.u32 s13, $0x3;
	s6 =	sadd.s32 $0x16400, s7  }
0x11: {  	s7 =	sadd.s32 $0xC400, s7;
	s8 =	sadd.s32 $0x33E00, s9;
	s9 =	smax.u32 s1, $0x1  }
.LBB2_1:
0x12: {  	[tilespmem:s3], [sflag:$0x5] =	stream.linear.gather [hbm4b:s6+s3], $0x2800, $0x38;
	[tilespmem:$0x17000] =	vst v63  }
0x13: {  	_ =	swait.ge [sflag:s10], $0x2800  }
0x14: {  	[sflag:s10] =	ssyncset.done $0x0  }
0x15: {  	[sflag:s10] =	ssyncadd.s32 $0xFFFFD800  }
0x16: {  	[tilespmem:s11], [sflag:$0x5] =	stream.linear.gather [hbm4b:s7+s3], $0x2800, $0x38;
	[tilespmem:$0x17000] =	vst v63  }
0x17: {  	_ =	swait.ge [sflag:s10], $0x2800  }
0x18: {  	[sflag:s10] =	ssyncset.done $0x0  }
0x19: {  	[sflag:s10] =	ssyncadd.s32 $0xFFFFD800  }
0x1a: {  	[spmem:s13], [sflag:s12] =	dma.local [hbm:s5], $0x1400  }
0x1b: {  	_ =	swait.ge [sflag:s10], $0x1400  }
0x1c: {  	[sflag:s10] =	ssyncset.done $0x0  }
0x1d: {  	[sflag:s10] =	ssyncadd.s32 $0xFFFFEC00  }
0x1e: {  	[bflag:$0x0] =	sbarrier.arrive $0xFFFF  }
0x1f: {  	[tilespmem:s15], [sflag:$0x1] =	stream.indirect.gather [hbm4b:s4+s14], $0x40, s3, s14, $0xb8;
	[tilespmem:$0x17000] =	vst v63  }
0x20: {  	_ = 	snop  }
0x21: {  	[tilespmem:s16], [sflag:$0x2] =	stream.indirect.gather [hbm4b:s4+s14], $0x40, s14, s14, $0xb8;
	[tilespmem:$0x17000] =	vst v63  }
0x22: {  	_ = 	snop  }
0x23: {  	[tilespmem:s18], [sflag:$0x3] =	stream.indirect.gather [hbm4b:s4+s14], $0x40, s17, s14, $0xb8;
	[tilespmem:$0x17000] =	vst v63  }
0x24: {  	_ = 	snop  }
0x25: {  	[tilespmem:s20], [sflag:$0x4] =	stream.indirect.gather [hbm4b:s4+s14], $0x40, s19, s14, $0xb8;
	[tilespmem:$0x17000] =	vst v63  }
0x26: {  	_ =	swait.ge [sflag:s21], $0x2000  }
0x27: {  	[sflag:s21] =	ssyncset.done $0x0  }
0x28: {  	s1 =	simm.s32 $0x2800;
	[sflag:s21] =	ssyncadd.s32 $0xFFFFE000  }
0x29: {  	[spmem:s2] =	stream.indirect.scatter.add.f32 [tilespmem:s15], [sflag:$0x5], $0x40, s1, s14, $0xb8;
	[tilespmem:$0x17000] =	vst v63  }
0x2a: {  	_ =	swait.ge [sflag:s10], $0x2000  }
0x2b: {  	[sflag:s10] =	ssyncset.done $0x0  }
0x2c: {  	s0 =	simm.s32 $0x200;
	[sflag:s10] =	ssyncadd.s32 $0xFFFFE000  }
0x2d: {  	[tilespmem:s15], [sflag:$0x1] =	stream.indirect.gather [hbm4b:s4+s14], $0x40, s0, s14, $0xb8;
	[tilespmem:$0x17000] =	vst v63  }
0x2e: {  	_ =	swait.ge [sflag:s22], $0x2000  }
0x2f: {  	[sflag:s22] =	ssyncset.done $0x0  }
0x30: {  	s0 =	simm.s32 $0x2880;
	[sflag:s22] =	ssyncadd.s32 $0xFFFFE000  }
0x31: {  	[spmem:s2] =	stream.indirect.scatter.add.f32 [tilespmem:s16], [sflag:$0x5], $0x40, s0, s14, $0xb8;
	[tilespmem:$0x17000] =	vst v63  }
0x32: {  	_ =	swait.ge [sflag:s10], $0x2000  }
0x33: {  	[sflag:s10] =	ssyncset.done $0x0  }
0x34: {  	s0 =	simm.s32 $0x280;
	[sflag:s10] =	ssyncadd.s32 $0xFFFFE000  }
0x35: {  	[tilespmem:s16], [sflag:$0x2] =	stream.indirect.gather [hbm4b:s4+s14], $0x40, s0, s14, $0xb8;
	[tilespmem:$0x17000] =	vst v63  }
0x36: {  	_ =	swait.ge [sflag:s23], $0x2000  }
0x37: {  	[sflag:s23] =	ssyncset.done $0x0  }
0x38: {  	s0 =	simm.s32 $0x2900;
	[sflag:s23] =	ssyncadd.s32 $0xFFFFE000  }
0x39: {  	[spmem:s2] =	stream.indirect.scatter.add.f32 [tilespmem:s18], [sflag:$0x5], $0x40, s0, s14, $0xb8;
	[tilespmem:$0x17000] =	vst v63  }
0x3a: {  	_ =	swait.ge [sflag:s10], $0x2000  }
0x3b: {  	[sflag:s10] =	ssyncset.done $0x0  }
0x3c: {  	s0 =	simm.s32 $0x300;
	[sflag:s10] =	ssyncadd.s32 $0xFFFFE000  }
0x3d: {  	[tilespmem:s18], [sflag:$0x3] =	stream.indirect.gather [hbm4b:s4+s14], $0x40, s0, s14, $0xb8;
	[tilespmem:$0x17000] =	vst v63  }
0x3e: {  	_ =	swait.ge [sflag:s24], $0x2000  }
0x3f: {  	[sflag:s24] =	ssyncset.done $0x0  }
0x40: {  	s0 =	simm.s32 $0x2980;
	[sflag:s24] =	ssyncadd.s32 $0xFFFFE000  }
0x41: {  	[spmem:s2] =	stream.indirect.scatter.add.f32 [tilespmem:s20], [sflag:$0x5], $0x40, s0, s14, $0xb8;
	[tilespmem:$0x17000] =	vst v63  }
0x42: {  	_ =	swait.ge [sflag:s10], $0x2000  }
0x43: {  	[sflag:s10] =	ssyncset.done $0x0  }
0x44: {  	s31 =	simm.s32 $0x800;
	s1 =	simm.s32 $0x380;
	[sflag:s10] =	ssyncadd.s32 $0xFFFFE000  }
.LBB2_2:
0x45: {  	[tilespmem:s20], [sflag:$0x4] =	stream.indirect.gather [hbm4b:s4+s14], $0x40, s1, s14, $0xb8;
	[tilespmem:$0x17000] =	vst v63  }
0x46: {  	s1 =	smov.u32 s31  }
0x47: {  	p0 =	sne.s32 s31, $0x9000;
	s31 =	sadd.s32 $0x800, s31;
	_ =	swait.ge [sflag:s21], $0x2000  }
0x48: {  	s1 =	sshra.s32 s1, $0x2;
	[sflag:s21] =	ssyncset.done $0x0  }
0x49: {  	s0 =	sadd.s32 $0x2800, s1;
	[sflag:s21] =	ssyncadd.s32 $0xFFFFE000  }
0x4a: {  	[spmem:s2] =	stream.indirect.scatter.add.f32 [tilespmem:s15], [sflag:$0x5], $0x40, s0, s14, $0xb8;
	[tilespmem:$0x17000] =	vst v63  }
0x4b: {  	_ =	swait.ge [sflag:s10], $0x2000  }
0x4c: {  	[sflag:s10] =	ssyncset.done $0x0  }
0x4d: {  	s0 =	sadd.s32 $0x200, s1;
	[sflag:s10] =	ssyncadd.s32 $0xFFFFE000  }
0x4e: {  	[tilespmem:s15], [sflag:$0x1] =	stream.indirect.gather [hbm4b:s4+s14], $0x40, s0, s14, $0xb8;
	[tilespmem:$0x17000] =	vst v63  }
0x4f: {  	_ =	swait.ge [sflag:s22], $0x2000  }
0x50: {  	[sflag:s22] =	ssyncset.done $0x0  }
0x51: {  	s0 =	sadd.s32 $0x2880, s1;
	[sflag:s22] =	ssyncadd.s32 $0xFFFFE000  }
0x52: {  	[spmem:s2] =	stream.indirect.scatter.add.f32 [tilespmem:s16], [sflag:$0x5], $0x40, s0, s14, $0xb8;
	[tilespmem:$0x17000] =	vst v63  }
0x53: {  	_ =	swait.ge [sflag:s10], $0x2000  }
0x54: {  	[sflag:s10] =	ssyncset.done $0x0  }
0x55: {  	s0 =	sadd.s32 $0x280, s1;
	[sflag:s10] =	ssyncadd.s32 $0xFFFFE000  }
0x56: {  	[tilespmem:s16], [sflag:$0x2] =	stream.indirect.gather [hbm4b:s4+s14], $0x40, s0, s14, $0xb8;
	[tilespmem:$0x17000] =	vst v63  }
0x57: {  	_ =	swait.ge [sflag:s23], $0x2000  }
0x58: {  	[sflag:s23] =	ssyncset.done $0x0  }
0x59: {  	s0 =	sadd.s32 $0x2900, s1;
	[sflag:s23] =	ssyncadd.s32 $0xFFFFE000  }
0x5a: {  	[spmem:s2] =	stream.indirect.scatter.add.f32 [tilespmem:s18], [sflag:$0x5], $0x40, s0, s14, $0xb8;
	[tilespmem:$0x17000] =	vst v63  }
0x5b: {  	_ =	swait.ge [sflag:s10], $0x2000  }
0x5c: {  	[sflag:s10] =	ssyncset.done $0x0  }
0x5d: {  	s0 =	sadd.s32 $0x300, s1;
	[sflag:s10] =	ssyncadd.s32 $0xFFFFE000  }
0x5e: {  	[tilespmem:s18], [sflag:$0x3] =	stream.indirect.gather [hbm4b:s4+s14], $0x40, s0, s14, $0xb8;
	[tilespmem:$0x17000] =	vst v63  }
0x5f: {  	_ =	swait.ge [sflag:s24], $0x2000  }
0x60: {  	[sflag:s24] =	ssyncset.done $0x0  }
.Ltmp0:
0x61: {  	s0 =	sadd.s32 $0x2980, s1;
	[sflag:s24] =	ssyncadd.s32 $0xFFFFE000;
	(pc) =	sbr.rel @p0 .LBB2_2-.Ltmp0, $4  }
0x62: {  	[spmem:s2] =	stream.indirect.scatter.add.f32 [tilespmem:s20], [sflag:$0x5], $0x40, s0, s14, $0xb8;
	[tilespmem:$0x17000] =	vst v63  }
0x63: {  	_ =	swait.ge [sflag:s10], $0x2000  }
0x64: {  	[sflag:s10] =	ssyncset.done $0x0  }
0x65: {  	s1 =	sadd.s32 $0x380, s1;
	[sflag:s10] =	ssyncadd.s32 $0xFFFFE000  }
0x66: {  	[tilespmem:s20], [sflag:$0x4] =	stream.indirect.gather [hbm4b:s4+s14], $0x40, s1, s14, $0xb8;
	[tilespmem:$0x17000] =	vst v63  }
0x67: {  	_ =	swait.ge [sflag:s21], $0x2000  }
0x68: {  	[sflag:s21] =	ssyncset.done $0x0  }
0x69: {  	[sflag:s21] =	ssyncadd.s32 $0xFFFFE000  }
0x6a: {  	[spmem:s2] =	stream.indirect.scatter.add.f32 [tilespmem:s15], [sflag:$0x5], $0x40, s25, s14, $0xb8;
	[tilespmem:$0x17000] =	vst v63  }
0x6b: {  	_ =	swait.ge [sflag:s10], $0x2000  }
0x6c: {  	[sflag:s10] =	ssyncset.done $0x0  }
0x6d: {  	[sflag:s10] =	ssyncadd.s32 $0xFFFFE000  }
0x6e: {  	_ =	swait.ge [sflag:s22], $0x2000  }
0x6f: {  	[sflag:s22] =	ssyncset.done $0x0  }
0x70: {  	[sflag:s22] =	ssyncadd.s32 $0xFFFFE000  }
0x71: {  	[spmem:s2] =	stream.indirect.scatter.add.f32 [tilespmem:s16], [sflag:$0x5], $0x40, s26, s14, $0xb8;
	[tilespmem:$0x17000] =	vst v63  }
0x72: {  	_ =	swait.ge [sflag:s10], $0x2000  }
0x73: {  	[sflag:s10] =	ssyncset.done $0x0  }
0x74: {  	[sflag:s10] =	ssyncadd.s32 $0xFFFFE000  }
0x75: {  	_ =	swait.ge [sflag:s23], $0x2000  }
0x76: {  	[sflag:s23] =	ssyncset.done $0x0  }
0x77: {  	[sflag:s23] =	ssyncadd.s32 $0xFFFFE000  }
0x78: {  	[spmem:s2] =	stream.indirect.scatter.add.f32 [tilespmem:s18], [sflag:$0x5], $0x40, s28, s14, $0xb8;
	[tilespmem:$0x17000] =	vst v63  }
0x79: {  	_ =	swait.ge [sflag:s10], $0x2000  }
0x7a: {  	[sflag:s10] =	ssyncset.done $0x0  }
0x7b: {  	[sflag:s10] =	ssyncadd.s32 $0xFFFFE000  }
0x7c: {  	_ =	swait.ge [sflag:s24], $0x2000  }
0x7d: {  	[sflag:s24] =	ssyncset.done $0x0  }
0x7e: {  	[sflag:s24] =	ssyncadd.s32 $0xFFFFE000  }
0x7f: {  	[spmem:s2] =	stream.indirect.scatter.add.f32 [tilespmem:s20], [sflag:$0x5], $0x40, s29, s14, $0xb8;
	[tilespmem:$0x17000] =	vst v63  }
0x80: {  	_ =	swait.ge [sflag:s10], $0x2000  }
0x81: {  	s30 =	sadd.s32 $0x1, s30;
	[sflag:s10] =	ssyncset.done $0x0  }
0x82: {  	p0 =	sne.s32 s30, s9;
	[sflag:s10] =	ssyncadd.s32 $0xFFFFE000  }
.Ltmp1:
0x83: {  	[bflag:$0x0] =	sbarrier.arrive $0xFFFF;
	(pc) =	sbr.rel @p0 .LBB2_1-.Ltmp1, $4  }
0x84: {  	[hbm:s8], [sflag:s12] =	dma.local [spmem:s13], $0x1400  }
0x85: {  	_ =	swait.ge [sflag:s10], $0x1400  }
0x86: {  	[sflag:s10] =	ssyncset.done $0x0  }
0x87: {  	[sflag:s10] =	ssyncadd.s32 $0xFFFFEC00  }
0x88: {  	_ =	sfence.sel $0x180000  }
0x89: {  	[bflag:$0x0] =	sbarrier.arrive $0xFFFF  }
0x8a: {  	_ =	strace $0x9000004A  }
0x8b: {  	s0 =	stileid.u32;
	[bflag:$0x2] =	sbarrier.arrive $0xFFFF  }
0x8c: {  	p0 =	sne.s32 s0, $0x0;
	s0 =	rddreg [dreg:$0x2]  }
0x8d: {  	s0 =	sadd.s32 @!p0 $0x100000, s0  }
0x8e: {  	[sflag:s0] =	ssyncadd.tile.s32 @!p0 $0x1;
	_ =	shalt  }
.Lfunc_end2:
_tile_overlayer_lowered:
.L_overlay_start_2:
0x8f: {  	(tag) =	ssettag $0x2  }
0x90: {  	s0 =	rddreg [dreg:$0x0];
	s2 =	stileid.u32  }
0x91: {  	s1 =	rddreg [dreg:$0x1];
	p0 =	sne.s32 s2, $0x0  }
0x92: {  	s3 =	rddreg [dreg:$0x2];
	[bflag:$0x3] =	sbarrier.arrive $0xFFFF;
	s2 =	simm.s32 @!p0 $0x1C05  }
0x93: {  	[timem:s3], [sflag:s2] =	dma.local @!p0 [hbm:s0], s1  }
0x94: {  	s0 =	simm.s32 @!p0 $0x5  }
0x95: {  	_ =	swait.ge @!p0 [sflag:s0], s1  }
0x96: {  	s1 =	ssub.s32 @!p0 $0x0, s1;
	[sflag:s0] =	ssyncset.done @!p0 $0x0  }
0x97: {  	[sflag:s0] =	ssyncadd.s32 @!p0 s1  }
0x98: {  	[bflag:$0x3] =	sbarrier.arrive $0xFFFF  }
0x99: {  	_ =	shalt  }

</sc_bundles>
